<compile_context>
chip_gen: v7x
topology: tpu7x:2x2x1
jax: 0.10.2.dev20260603
libtpu: 0.0.44.dev20260713+nightly
codegen_flags: <defaults>
</compile_context>

<pallas_src>
import dataclasses
import functools

import jax
import jax.numpy as jnp
from jax import lax
from jax.experimental import pallas as pl
from jax.experimental.pallas import tpu as pltpu
from jax.experimental.pallas import tpu_sc as plsc

_N = 10000
_K = 9
_NP = 10240
_BR = 256
_PAD_COORD = 1000.0
_REMOVED = 0x7F000000
_IDX_MASK = 16383
_NTILES = 32
_RPT = _NP // _NTILES
_L = 16


def _knn_body(n, k, npad, br, vfull_ref, vrow_ref, out_ref, key_scr):
    step = pl.program_id(0)
    vp = vfull_ref[...]
    vr = vrow_ref[...]
    sq_all = jnp.sum(vp * vp, axis=1)
    sq_r = jnp.sum(vr * vr, axis=1)
    dot = lax.dot_general(
        vr, vp, (((1,), (1,)), ((), ())),
        preferred_element_type=jnp.float32)
    d2 = sq_r[:, None] + sq_all[None, :] - 2.0 * dot
    cols = lax.broadcasted_iota(jnp.int32, (br, npad), 1)
    key_scr[...] = lax.bitcast_convert_type(
        (lax.bitcast_convert_type(d2, jnp.int32) & ~_IDX_MASK) | cols,
        jnp.float32)

    row0 = step * br
    lvalid = (row0 + lax.iota(jnp.int32, br)) < n
    trash = jnp.full((br,), npad - 1, jnp.int32)
    inf = jnp.float32(jnp.inf)
    for it in range(k + 1):
        kk = key_scr[...]
        m = jnp.min(kk, axis=1)
        if it > 0:
            mi = lax.bitcast_convert_type(m, jnp.int32)
            idx = jnp.where(lvalid, mi & _IDX_MASK, trash)
            out_ref[it, :] = idx
        if it < k:
            key_scr[...] = jnp.where(kk == m[:, None], inf, kk)


def _knn_call(n, k, npad, br, vp):
    nb = npad // br
    return pl.pallas_call(
        functools.partial(_knn_body, n, k, npad, br),
        grid=(nb,),
        in_specs=[
            pl.BlockSpec((npad, 4), lambda i: (0, 0)),
            pl.BlockSpec((br, 4), lambda i: (i, 0)),
        ],
        out_specs=pl.BlockSpec((16, br), lambda i: (0, i)),
        out_shape=jax.ShapeDtypeStruct((16, npad), jnp.int32),
        scratch_shapes=[pltpu.VMEM((br, npad), jnp.float32)],
    )(vp, vp)


def _sc_scatter(npad, k, knn9r, knn_rm, xyzt3):
    mesh = plsc.VectorSubcoreMesh(core_axis_name="c", subcore_axis_name="s")
    rpt = npad // _NTILES
    cp = pltpu.CompilerParams()
    if "needs_layout_passes" in pltpu.CompilerParams.__dataclass_fields__:
        cp = dataclasses.replace(cp, needs_layout_passes=False)

    @functools.partial(
        pl.kernel,
        mesh=mesh,
        compiler_params=cp,
        out_type=jax.ShapeDtypeStruct((_NTILES, 4, 1, npad), jnp.float32),
        scratch_types=[
            pltpu.VMEM((npad,), jnp.float32),
            pltpu.VMEM((npad,), jnp.float32),
            pltpu.VMEM((npad,), jnp.float32),
            pltpu.VMEM((npad,), jnp.float32),
            pltpu.VMEM((npad,), jnp.float32),
            pltpu.VMEM((npad,), jnp.float32),
            pltpu.VMEM((npad,), jnp.float32),
            pltpu.VMEM((k, rpt), jnp.int32),
            pltpu.VMEM((rpt, 16), jnp.int32),
            pltpu.SemaphoreType.DMA,
        ],
    )
    def sck(knn9r_hbm, knnrm_hbm, xyzt_hbm, out_hbm,
            xv, yv, zv, sx, sy, sz, dg, ktb, krb, sem):
        wid = lax.axis_index("c") * 16 + lax.axis_index("s")
        base = wid * rpt

        zero16 = jnp.zeros((_L,), jnp.float32)

        @pl.loop(0, npad // _L)
        def _(i):
            sl = pl.ds(i * _L, _L)
            sx[sl] = zero16
            sy[sl] = zero16
            sz[sl] = zero16
            dg[sl] = zero16

        pltpu.sync_copy(xyzt_hbm.at[0, 0], xv)
        pltpu.sync_copy(xyzt_hbm.at[1, 0], yv)
        pltpu.sync_copy(xyzt_hbm.at[2, 0], zv)
        pltpu.sync_copy(knn9r_hbm.at[wid], ktb)
        pltpu.sync_copy(knnrm_hbm.at[pl.ds(base, rpt)], krb)

        @pl.loop(0, rpt // _L)
        def _(g):
            sl = pl.ds(g * _L, _L)
            accx = jnp.zeros((_L,), jnp.float32)
            accy = jnp.zeros((_L,), jnp.float32)
            accz = jnp.zeros((_L,), jnp.float32)
            for kk in range(k):
                u = ktb[kk, sl]
                accx += plsc.load_gather(xv, [u])
                accy += plsc.load_gather(yv, [u])
                accz += plsc.load_gather(zv, [u])
            gsl = pl.ds(base + g * _L, _L)
            sx[gsl] = sx[gsl] + accx
            sy[gsl] = sy[gsl] + accy
            sz[gsl] = sz[gsl] + accz

        ones16 = jnp.ones((_L,), jnp.float32)
        mask9 = lax.iota(jnp.int32, _L) < k
        zero16i = jnp.zeros((_L,), jnp.int32)

        @pl.loop(0, rpt)
        def _(r):
            u = krb[r]
            rg = zero16i + (base + r)
            vx = plsc.load_gather(xv, [rg])
            vy = plsc.load_gather(yv, [rg])
            vz = plsc.load_gather(zv, [rg])
            plsc.addupdate_scatter(sx, [u], vx, mask=mask9)
            plsc.addupdate_scatter(sy, [u], vy, mask=mask9)
            plsc.addupdate_scatter(sz, [u], vz, mask=mask9)
            plsc.addupdate_scatter(dg, [u], ones16, mask=mask9)

        pltpu.sync_copy(sx, out_hbm.at[wid, 0, 0])
        pltpu.sync_copy(sy, out_hbm.at[wid, 1, 0])
        pltpu.sync_copy(sz, out_hbm.at[wid, 2, 0])
        pltpu.sync_copy(dg, out_hbm.at[wid, 3, 0])

    return sck(knn9r, knn_rm, xyzt3)


def _finish_body(n, k, npad, parts_ref, xyzt_ref, out_ref):
    acc = parts_ref[0]
    for t in range(1, _NTILES):
        acc = acc + parts_ref[t]
    deg = acc[3:4, :] + jnp.float32(k)
    lx = acc[0:1, :] / deg - xyzt_ref[0:1, :]
    ly = acc[1:2, :] / deg - xyzt_ref[1:2, :]
    lz = acc[2:3, :] / deg - xyzt_ref[2:3, :]
    nrm = jnp.sqrt(lx * lx + ly * ly + lz * lz)
    valid = lax.broadcasted_iota(jnp.int32, (1, npad), 1) < n
    loss = jnp.sum(jnp.where(valid, nrm, 0.0)) / n
    out_ref[...] = loss[None, None]


def _finish_call(n, k, npad, parts, xyzt):
    return pl.pallas_call(
        functools.partial(_finish_body, n, k, npad),
        out_shape=jax.ShapeDtypeStruct((1, 1), jnp.float32),
    )(parts, xyzt)


def kernel(xyz_canon):
    vp = jnp.full((_NP, 4), _PAD_COORD, jnp.float32)
    vp = vp.at[:, 3].set(0.0).at[:_N, :3].set(xyz_canon)
    xyzt = jnp.full((3, _NP), _PAD_COORD, jnp.float32)
    xyzt = xyzt.at[:, :_N].set(xyz_canon.T)

    knnt = _knn_call(_N, _K, _NP, _BR, vp)
    knn9 = knnt[1:1 + _K]
    knn9r = knn9.reshape(_K, _NTILES, _RPT).transpose(1, 0, 2)
    knn_rm = jnp.pad(knn9.T, ((0, 0), (0, 16 - _K)))
    parts = _sc_scatter(_NP, _K, knn9r, knn_rm, xyzt.reshape(3, 1, _NP))
    loss = _finish_call(_N, _K, _NP, parts.reshape(_NTILES, 4, _NP), xyzt)
    return loss[0, 0]

# --- scband reference (transcript-rebuilt; emitter-appended) ---
"""Pipeline reference for scband-laplacian-smoothing-9509057593790 (READ-ONLY COPY).

The authoritative reference and input builder live on the scoring server;
editing this copy changes nothing except your own understanding.
"""

import jax, jax.numpy as jnp
import numpy as np

N = 10000
K = 9

def setup_inputs(seed: int = 0) -> dict:
    key = jax.random.key(seed)
    xyz_canon = jax.random.normal(key, (N, 3), dtype=jnp.float32)
    return {"xyz_canon": xyz_canon}

def _build_edges(verts, k):
    sq = jnp.sum(verts * verts, axis=1)
    d2 = sq[:, None] + sq[None, :] - 2.0 * (verts @ verts.T)
    _, idx = jax.lax.top_k(-d2, k + 1)
    knn_idx = idx[:, 1:]
    n = verts.shape[0]
    e0 = jnp.repeat(jnp.arange(n), k)
    e1 = knn_idx.reshape(-1)
    return e0, e1

def _laplacian_mm(verts, e0, e1):
    V = verts.shape[0]
    rows = jnp.concatenate([e0, e1])
    cols = jnp.concatenate([e1, e0])
    ones = jnp.ones(rows.shape[0], dtype=verts.dtype)
    deg = jax.ops.segment_sum(ones, rows, num_segments=V)
    deg0 = deg[e0]
    deg1 = deg[e1]
    w01 = jnp.where(deg0 > 0, 1.0 / deg0, jnp.zeros_like(deg0))
    w10 = jnp.where(deg1 > 0, 1.0 / deg1, jnp.zeros_like(deg1))
    vals = jnp.concatenate([w01, w10])
    # L = A_norm - I ; L @ verts via scatter-add over sparse entries
    Lv = jnp.zeros((V, verts.shape[1]), dtype=verts.dtype).at[rows].add(vals[:, None] * verts[cols])
    Lv = Lv - verts
    return Lv

def reference(xyz_canon):
    verts = xyz_canon
    # build_edges: brute-force KNN (self excluded via first column)
    e0, e1 = _build_edges(verts, K)
    # pcd_laplacian_smoothing over the single entry of smooth_dict
    Lv = _laplacian_mm(verts, e0, e1)
    loss = jnp.linalg.norm(Lv, axis=1).mean()
    return loss

if __name__ == "__main__":
    import jax
    _d = setup_inputs()
    print(jax.jit(kernel)(*tuple(_d.values())))

</pallas_src>

<mosaic_0001>
#map = affine_map<(d0, d1) -> (0, 0, 0)>
#map1 = affine_map<(d0, d1) -> (0, 0)>
#map2 = affine_map<(d0, d1) -> (0, 0, 0, 0)>
module attributes {stable_mosaic.version = 14 : i64} {
  func.func @sck(%arg0: i32, %arg1: i32, %arg2: memref<32x9x320xi32, #tpu.memory_space<hbm>>, %arg3: memref<10240x16xi32, #tpu.memory_space<hbm>>, %arg4: memref<3x1x10240xf32, #tpu.memory_space<hbm>>, %arg5: memref<32x4x1x10240xf32, #tpu.memory_space<hbm>>, %arg6: memref<10240xf32, #tpu.memory_space<vmem>>, %arg7: memref<10240xf32, #tpu.memory_space<vmem>>, %arg8: memref<10240xf32, #tpu.memory_space<vmem>>, %arg9: memref<10240xf32, #tpu.memory_space<vmem>>, %arg10: memref<10240xf32, #tpu.memory_space<vmem>>, %arg11: memref<10240xf32, #tpu.memory_space<vmem>>, %arg12: memref<10240xf32, #tpu.memory_space<vmem>>, %arg13: memref<9x320xi32, #tpu.memory_space<vmem>>, %arg14: memref<320x16xi32, #tpu.memory_space<vmem>>, %arg15: memref<!tpu.dma_semaphore, #tpu.memory_space<semaphore_mem>>) attributes {dimension_semantics = [#tpu.dimension_semantics<core_parallel>, #tpu.dimension_semantics<subcore_parallel>], iteration_bounds = array<i64: 2, 16>, scalar_prefetch = 0 : i64, scratch_operands = 10 : i64, tpu.core_type = #tpu.core_type<sc_vector_subcore>, window_params = [{transform_indices = #map}, {transform_indices = #map1}, {transform_indices = #map}, {transform_indices = #map2}]} {
    %mul3A = arith.constant 16 : i32
    %mul3A_0 = arith.muli %arg0, %mul3A : i32
    %add3A = arith.addi %mul3A_0, %arg1 : i32
    %mul3A_1 = arith.constant 320 : i32
    %mul3A_2 = arith.muli %add3A, %mul3A_1 : i32
    %broadcast_in_dim3A = arith.constant 0.000000e+00 : f32
    %broadcast_in_dim3A_3 = vector.broadcast %broadcast_in_dim3A : f32 to vector<16xf32>
    %scan3A = arith.constant 0 : i32
    %scan3A_4 = arith.constant 640 : i32
    %scan3A_5 = arith.addi %scan3A, %scan3A_4 : i32
    %scan3A_6 = arith.constant 1 : i32
    scf.for %scan3A_37 = %scan3A to %scan3A_5 step %scan3A_6  : i32 {
      %mul3A_38 = arith.constant 1 : i32
      %mul3A_39 = arith.muli %scan3A_37, %mul3A_38 : i32
      %add3A_40 = arith.constant 0 : i32
      %add3A_41 = arith.addi %add3A_40, %mul3A_39 : i32
      %mul3A_42 = arith.constant 16 : i32
      %mul3A_43 = arith.muli %add3A_41, %mul3A_42 : i32
      %swap3A = arith.index_cast %mul3A_43 : i32 to index
      %swap3A_44 = tpu.vector_load %arg9[%swap3A] {strides = array<i32>} : memref<10240xf32, #tpu.memory_space<vmem>>, vector<16xf32>,
      tpu.vector_store %arg9[%swap3A], %broadcast_in_dim3A_3 {strides = array<i32>} : memref<10240xf32, #tpu.memory_space<vmem>>, vector<16xf32>,
      %swap3A_45 = arith.index_cast %mul3A_43 : i32 to index
      %swap3A_46 = tpu.vector_load %arg10[%swap3A_45] {strides = array<i32>} : memref<10240xf32, #tpu.memory_space<vmem>>, vector<16xf32>,
      tpu.vector_store %arg10[%swap3A_45], %broadcast_in_dim3A_3 {strides = array<i32>} : memref<10240xf32, #tpu.memory_space<vmem>>, vector<16xf32>,
      %swap3A_47 = arith.index_cast %mul3A_43 : i32 to index
      %swap3A_48 = tpu.vector_load %arg11[%swap3A_47] {strides = array<i32>} : memref<10240xf32, #tpu.memory_space<vmem>>, vector<16xf32>,
      tpu.vector_store %arg11[%swap3A_47], %broadcast_in_dim3A_3 {strides = array<i32>} : memref<10240xf32, #tpu.memory_space<vmem>>, vector<16xf32>,
      %swap3A_49 = arith.index_cast %mul3A_43 : i32 to index
      %swap3A_50 = tpu.vector_load %arg12[%swap3A_49] {strides = array<i32>} : memref<10240xf32, #tpu.memory_space<vmem>>, vector<16xf32>,
      tpu.vector_store %arg12[%swap3A_49], %broadcast_in_dim3A_3 {strides = array<i32>} : memref<10240xf32, #tpu.memory_space<vmem>>, vector<16xf32>,
    }
    %scan3A_7 = arith.constant 640 : i32
    %run_scoped3A = arith.constant 0 : i32
    %run_scoped3A_8 = arith.constant 0 : i32
    "tpu.region"() ({
      %run_scoped3A_37 = tpu.sem_alloc : memref<!tpu.dma_semaphore, #tpu.memory_space<semaphore_mem>>
      %dma_start3A = arith.constant 0 : i32
      %dma_start3A_38 = tpu.memref_slice %arg4[%run_scoped3A, %run_scoped3A_8, %dma_start3A] : memref<3x1x10240xf32, #tpu.memory_space<hbm>> -> memref<1x1x10240xf32, #tpu.memory_space<hbm>>
      %dma_start3A_39 = tpu.memref_squeeze %dma_start3A_38 : memref<1x1x10240xf32, #tpu.memory_space<hbm>> -> memref<10240xf32, #tpu.memory_space<hbm>>
      %dma_start3A_40 = arith.constant 0 : i32
      %dma_start3A_41 = tpu.memref_slice %arg4[%run_scoped3A, %run_scoped3A_8, %dma_start3A_40] : memref<3x1x10240xf32, #tpu.memory_space<hbm>> -> memref<1x1x10240xf32, #tpu.memory_space<hbm>>
      %dma_start3A_42 = tpu.memref_squeeze %dma_start3A_41 : memref<1x1x10240xf32, #tpu.memory_space<hbm>> -> memref<10240xf32, #tpu.memory_space<hbm>>
      tpu.enqueue_dma source(%dma_start3A_42 : memref<10240xf32, #tpu.memory_space<hbm>>) target(%arg6 : memref<10240xf32, #tpu.memory_space<vmem>>) target_semaphore(%run_scoped3A_37 : memref<!tpu.dma_semaphore, #tpu.memory_space<semaphore_mem>>)
      %dma_wait3A = arith.constant 0 : i32
      %dma_wait3A_43 = tpu.memref_slice %arg4[%run_scoped3A, %run_scoped3A_8, %dma_wait3A] : memref<3x1x10240xf32, #tpu.memory_space<hbm>> -> memref<1x1x10240xf32, #tpu.memory_space<hbm>>
      %dma_wait3A_44 = tpu.memref_squeeze %dma_wait3A_43 : memref<1x1x10240xf32, #tpu.memory_space<hbm>> -> memref<10240xf32, #tpu.memory_space<hbm>>
      %dma_wait3A_45 = arith.constant 0 : i32
      %dma_wait3A_46 = tpu.memref_slice %arg4[%run_scoped3A, %run_scoped3A_8, %dma_wait3A_45] : memref<3x1x10240xf32, #tpu.memory_space<hbm>> -> memref<1x1x10240xf32, #tpu.memory_space<hbm>>
      %dma_wait3A_47 = tpu.memref_squeeze %dma_wait3A_46 : memref<1x1x10240xf32, #tpu.memory_space<hbm>> -> memref<10240xf32, #tpu.memory_space<hbm>>
      tpu.wait_dma2 semaphore(%run_scoped3A_37 : memref<!tpu.dma_semaphore, #tpu.memory_space<semaphore_mem>>) src(%dma_wait3A_47 : memref<10240xf32, #tpu.memory_space<hbm>>) dst(%arg6 : memref<10240xf32, #tpu.memory_space<vmem>>)
      tpu.yield
    }) : () -> ()
    %run_scoped3A_9 = arith.constant 1 : i32
    %run_scoped3A_10 = arith.constant 0 : i32
    "tpu.region"() ({
      %run_scoped3A_37 = tpu.sem_alloc : memref<!tpu.dma_semaphore, #tpu.memory_space<semaphore_mem>>
      %dma_start3A = arith.constant 0 : i32
      %dma_start3A_38 = tpu.memref_slice %arg4[%run_scoped3A_9, %run_scoped3A_10, %dma_start3A] : memref<3x1x10240xf32, #tpu.memory_space<hbm>> -> memref<1x1x10240xf32, #tpu.memory_space<hbm>>
      %dma_start3A_39 = tpu.memref_squeeze %dma_start3A_38 : memref<1x1x10240xf32, #tpu.memory_space<hbm>> -> memref<10240xf32, #tpu.memory_space<hbm>>
      %dma_start3A_40 = arith.constant 0 : i32
      %dma_start3A_41 = tpu.memref_slice %arg4[%run_scoped3A_9, %run_scoped3A_10, %dma_start3A_40] : memref<3x1x10240xf32, #tpu.memory_space<hbm>> -> memref<1x1x10240xf32, #tpu.memory_space<hbm>>
      %dma_start3A_42 = tpu.memref_squeeze %dma_start3A_41 : memref<1x1x10240xf32, #tpu.memory_space<hbm>> -> memref<10240xf32, #tpu.memory_space<hbm>>
      tpu.enqueue_dma source(%dma_start3A_42 : memref<10240xf32, #tpu.memory_space<hbm>>) target(%arg7 : memref<10240xf32, #tpu.memory_space<vmem>>) target_semaphore(%run_scoped3A_37 : memref<!tpu.dma_semaphore, #tpu.memory_space<semaphore_mem>>)
      %dma_wait3A = arith.constant 0 : i32
      %dma_wait3A_43 = tpu.memref_slice %arg4[%run_scoped3A_9, %run_scoped3A_10, %dma_wait3A] : memref<3x1x10240xf32, #tpu.memory_space<hbm>> -> memref<1x1x10240xf32, #tpu.memory_space<hbm>>
      %dma_wait3A_44 = tpu.memref_squeeze %dma_wait3A_43 : memref<1x1x10240xf32, #tpu.memory_space<hbm>> -> memref<10240xf32, #tpu.memory_space<hbm>>
      %dma_wait3A_45 = arith.constant 0 : i32
      %dma_wait3A_46 = tpu.memref_slice %arg4[%run_scoped3A_9, %run_scoped3A_10, %dma_wait3A_45] : memref<3x1x10240xf32, #tpu.memory_space<hbm>> -> memref<1x1x10240xf32, #tpu.memory_space<hbm>>
      %dma_wait3A_47 = tpu.memref_squeeze %dma_wait3A_46 : memref<1x1x10240xf32, #tpu.memory_space<hbm>> -> memref<10240xf32, #tpu.memory_space<hbm>>
      tpu.wait_dma2 semaphore(%run_scoped3A_37 : memref<!tpu.dma_semaphore, #tpu.memory_space<semaphore_mem>>) src(%dma_wait3A_47 : memref<10240xf32, #tpu.memory_space<hbm>>) dst(%arg7 : memref<10240xf32, #tpu.memory_space<vmem>>)
      tpu.yield
    }) : () -> ()
    %run_scoped3A_11 = arith.constant 2 : i32
    %run_scoped3A_12 = arith.constant 0 : i32
    "tpu.region"() ({
      %run_scoped3A_37 = tpu.sem_alloc : memref<!tpu.dma_semaphore, #tpu.memory_space<semaphore_mem>>
      %dma_start3A = arith.constant 0 : i32
      %dma_start3A_38 = tpu.memref_slice %arg4[%run_scoped3A_11, %run_scoped3A_12, %dma_start3A] : memref<3x1x10240xf32, #tpu.memory_space<hbm>> -> memref<1x1x10240xf32, #tpu.memory_space<hbm>>
      %dma_start3A_39 = tpu.memref_squeeze %dma_start3A_38 : memref<1x1x10240xf32, #tpu.memory_space<hbm>> -> memref<10240xf32, #tpu.memory_space<hbm>>
      %dma_start3A_40 = arith.constant 0 : i32
      %dma_start3A_41 = tpu.memref_slice %arg4[%run_scoped3A_11, %run_scoped3A_12, %dma_start3A_40] : memref<3x1x10240xf32, #tpu.memory_space<hbm>> -> memref<1x1x10240xf32, #tpu.memory_space<hbm>>
      %dma_start3A_42 = tpu.memref_squeeze %dma_start3A_41 : memref<1x1x10240xf32, #tpu.memory_space<hbm>> -> memref<10240xf32, #tpu.memory_space<hbm>>
      tpu.enqueue_dma source(%dma_start3A_42 : memref<10240xf32, #tpu.memory_space<hbm>>) target(%arg8 : memref<10240xf32, #tpu.memory_space<vmem>>) target_semaphore(%run_scoped3A_37 : memref<!tpu.dma_semaphore, #tpu.memory_space<semaphore_mem>>)
      %dma_wait3A = arith.constant 0 : i32
      %dma_wait3A_43 = tpu.memref_slice %arg4[%run_scoped3A_11, %run_scoped3A_12, %dma_wait3A] : memref<3x1x10240xf32, #tpu.memory_space<hbm>> -> memref<1x1x10240xf32, #tpu.memory_space<hbm>>
      %dma_wait3A_44 = tpu.memref_squeeze %dma_wait3A_43 : memref<1x1x10240xf32, #tpu.memory_space<hbm>> -> memref<10240xf32, #tpu.memory_space<hbm>>
      %dma_wait3A_45 = arith.constant 0 : i32
      %dma_wait3A_46 = tpu.memref_slice %arg4[%run_scoped3A_11, %run_scoped3A_12, %dma_wait3A_45] : memref<3x1x10240xf32, #tpu.memory_space<hbm>> -> memref<1x1x10240xf32, #tpu.memory_space<hbm>>
      %dma_wait3A_47 = tpu.memref_squeeze %dma_wait3A_46 : memref<1x1x10240xf32, #tpu.memory_space<hbm>> -> memref<10240xf32, #tpu.memory_space<hbm>>
      tpu.wait_dma2 semaphore(%run_scoped3A_37 : memref<!tpu.dma_semaphore, #tpu.memory_space<semaphore_mem>>) src(%dma_wait3A_47 : memref<10240xf32, #tpu.memory_space<hbm>>) dst(%arg8 : memref<10240xf32, #tpu.memory_space<vmem>>)
      tpu.yield
    }) : () -> ()
    "tpu.region"() ({
      %run_scoped3A_37 = tpu.sem_alloc : memref<!tpu.dma_semaphore, #tpu.memory_space<semaphore_mem>>
      %dma_start3A = arith.constant 0 : i32
      %dma_start3A_38 = arith.constant 0 : i32
      %dma_start3A_39 = tpu.memref_slice %arg2[%add3A, %dma_start3A, %dma_start3A_38] : memref<32x9x320xi32, #tpu.memory_space<hbm>> -> memref<1x9x320xi32, #tpu.memory_space<hbm>>
      %dma_start3A_40 = tpu.memref_squeeze %dma_start3A_39 : memref<1x9x320xi32, #tpu.memory_space<hbm>> -> memref<9x320xi32, #tpu.memory_space<hbm>>
      %dma_start3A_41 = arith.constant 0 : i32
      %dma_start3A_42 = arith.constant 0 : i32
      %dma_start3A_43 = tpu.memref_slice %arg2[%add3A, %dma_start3A_41, %dma_start3A_42] : memref<32x9x320xi32, #tpu.memory_space<hbm>> -> memref<1x9x320xi32, #tpu.memory_space<hbm>>
      %dma_start3A_44 = tpu.memref_squeeze %dma_start3A_43 : memref<1x9x320xi32, #tpu.memory_space<hbm>> -> memref<9x320xi32, #tpu.memory_space<hbm>>
      tpu.enqueue_dma source(%dma_start3A_44 : memref<9x320xi32, #tpu.memory_space<hbm>>) target(%arg13 : memref<9x320xi32, #tpu.memory_space<vmem>>) target_semaphore(%run_scoped3A_37 : memref<!tpu.dma_semaphore, #tpu.memory_space<semaphore_mem>>)
      %dma_wait3A = arith.constant 0 : i32
      %dma_wait3A_45 = arith.constant 0 : i32
      %dma_wait3A_46 = tpu.memref_slice %arg2[%add3A, %dma_wait3A, %dma_wait3A_45] : memref<32x9x320xi32, #tpu.memory_space<hbm>> -> memref<1x9x320xi32, #tpu.memory_space<hbm>>
      %dma_wait3A_47 = tpu.memref_squeeze %dma_wait3A_46 : memref<1x9x320xi32, #tpu.memory_space<hbm>> -> memref<9x320xi32, #tpu.memory_space<hbm>>
      %dma_wait3A_48 = arith.constant 0 : i32
      %dma_wait3A_49 = arith.constant 0 : i32
      %dma_wait3A_50 = tpu.memref_slice %arg2[%add3A, %dma_wait3A_48, %dma_wait3A_49] : memref<32x9x320xi32, #tpu.memory_space<hbm>> -> memref<1x9x320xi32, #tpu.memory_space<hbm>>
      %dma_wait3A_51 = tpu.memref_squeeze %dma_wait3A_50 : memref<1x9x320xi32, #tpu.memory_space<hbm>> -> memref<9x320xi32, #tpu.memory_space<hbm>>
      tpu.wait_dma2 semaphore(%run_scoped3A_37 : memref<!tpu.dma_semaphore, #tpu.memory_space<semaphore_mem>>) src(%dma_wait3A_51 : memref<9x320xi32, #tpu.memory_space<hbm>>) dst(%arg13 : memref<9x320xi32, #tpu.memory_space<vmem>>)
      tpu.yield
    }) : () -> ()
    "tpu.region"() ({
      %run_scoped3A_37 = tpu.sem_alloc : memref<!tpu.dma_semaphore, #tpu.memory_space<semaphore_mem>>
      %dma_start3A = arith.constant 0 : i32
      %dma_start3A_38 = tpu.memref_slice %arg3[%mul3A_2, %dma_start3A] : memref<10240x16xi32, #tpu.memory_space<hbm>> -> memref<320x16xi32, #tpu.memory_space<hbm>>
      %dma_start3A_39 = arith.constant 0 : i32
      %dma_start3A_40 = tpu.memref_slice %arg3[%mul3A_2, %dma_start3A_39] : memref<10240x16xi32, #tpu.memory_space<hbm>> -> memref<320x16xi32, #tpu.memory_space<hbm>>
      tpu.enqueue_dma source(%dma_start3A_40 : memref<320x16xi32, #tpu.memory_space<hbm>>) target(%arg14 : memref<320x16xi32, #tpu.memory_space<vmem>>) target_semaphore(%run_scoped3A_37 : memref<!tpu.dma_semaphore, #tpu.memory_space<semaphore_mem>>)
      %dma_wait3A = arith.constant 0 : i32
      %dma_wait3A_41 = tpu.memref_slice %arg3[%mul3A_2, %dma_wait3A] : memref<10240x16xi32, #tpu.memory_space<hbm>> -> memref<320x16xi32, #tpu.memory_space<hbm>>
      %dma_wait3A_42 = arith.constant 0 : i32
      %dma_wait3A_43 = tpu.memref_slice %arg3[%mul3A_2, %dma_wait3A_42] : memref<10240x16xi32, #tpu.memory_space<hbm>> -> memref<320x16xi32, #tpu.memory_space<hbm>>
      tpu.wait_dma2 semaphore(%run_scoped3A_37 : memref<!tpu.dma_semaphore, #tpu.memory_space<semaphore_mem>>) src(%dma_wait3A_43 : memref<320x16xi32, #tpu.memory_space<hbm>>) dst(%arg14 : memref<320x16xi32, #tpu.memory_space<vmem>>)
      tpu.yield
    }) : () -> ()
    %scan3A_13 = arith.constant 0 : i32
    %scan3A_14 = arith.constant 20 : i32
    %scan3A_15 = arith.addi %scan3A_13, %scan3A_14 : i32
    %scan3A_16 = arith.constant 1 : i32
    scf.for %scan3A_37 = %scan3A_13 to %scan3A_15 step %scan3A_16  : i32 {
      %mul3A_38 = arith.constant 1 : i32
      %mul3A_39 = arith.muli %scan3A_37, %mul3A_38 : i32
      %add3A_40 = arith.constant 0 : i32
      %add3A_41 = arith.addi %add3A_40, %mul3A_39 : i32
      %mul3A_42 = arith.constant 16 : i32
      %mul3A_43 = arith.muli %add3A_41, %mul3A_42 : i32
      %broadcast_in_dim3A_44 = arith.constant 0.000000e+00 : f32
      %broadcast_in_dim3A_45 = vector.broadcast %broadcast_in_dim3A_44 : f32 to vector<16xf32>
      %broadcast_in_dim3A_46 = arith.constant 0.000000e+00 : f32
      %broadcast_in_dim3A_47 = vector.broadcast %broadcast_in_dim3A_46 : f32 to vector<16xf32>
      %broadcast_in_dim3A_48 = arith.constant 0.000000e+00 : f32
      %broadcast_in_dim3A_49 = vector.broadcast %broadcast_in_dim3A_48 : f32 to vector<16xf32>
      %get3A = arith.constant 0 : i32
      %get3A_50 = arith.index_cast %get3A : i32 to index
      %get3A_51 = arith.index_cast %mul3A_43 : i32 to index
      %get3A_52 = tpu.vector_load %arg13[%get3A_50, %get3A_51] {strides = array<i32>} : memref<9x320xi32, #tpu.memory_space<vmem>>, vector<16xi32>,
      %gather3A = tpu.vector_load_idx %arg6[%get3A_52] : memref<10240xf32, #tpu.memory_space<vmem>>[vector<16xi32>], vector<16xf32>,
      %add3A_53 = arith.addf %broadcast_in_dim3A_45, %gather3A : vector<16xf32>
      %gather3A_54 = tpu.vector_load_idx %arg7[%get3A_52] : memref<10240xf32, #tpu.memory_space<vmem>>[vector<16xi32>], vector<16xf32>,
      %add3A_55 = arith.addf %broadcast_in_dim3A_47, %gather3A_54 : vector<16xf32>
      %gather3A_56 = tpu.vector_load_idx %arg8[%get3A_52] : memref<10240xf32, #tpu.memory_space<vmem>>[vector<16xi32>], vector<16xf32>,
      %add3A_57 = arith.addf %broadcast_in_dim3A_49, %gather3A_56 : vector<16xf32>
      %get3A_58 = arith.constant 1 : i32
      %get3A_59 = arith.index_cast %get3A_58 : i32 to index
      %get3A_60 = arith.index_cast %mul3A_43 : i32 to index
      %get3A_61 = tpu.vector_load %arg13[%get3A_59, %get3A_60] {strides = array<i32>} : memref<9x320xi32, #tpu.memory_space<vmem>>, vector<16xi32>,
      %gather3A_62 = tpu.vector_load_idx %arg6[%get3A_61] : memref<10240xf32, #tpu.memory_space<vmem>>[vector<16xi32>], vector<16xf32>,
      %add3A_63 = arith.addf %add3A_53, %gather3A_62 : vector<16xf32>
      %gather3A_64 = tpu.vector_load_idx %arg7[%get3A_61] : memref<10240xf32, #tpu.memory_space<vmem>>[vector<16xi32>], vector<16xf32>,
      %add3A_65 = arith.addf %add3A_55, %gather3A_64 : vector<16xf32>
      %gather3A_66 = tpu.vector_load_idx %arg8[%get3A_61] : memref<10240xf32, #tpu.memory_space<vmem>>[vector<16xi32>], vector<16xf32>,
      %add3A_67 = arith.addf %add3A_57, %gather3A_66 : vector<16xf32>
      %get3A_68 = arith.constant 2 : i32
      %get3A_69 = arith.index_cast %get3A_68 : i32 to index
      %get3A_70 = arith.index_cast %mul3A_43 : i32 to index
      %get3A_71 = tpu.vector_load %arg13[%get3A_69, %get3A_70] {strides = array<i32>} : memref<9x320xi32, #tpu.memory_space<vmem>>, vector<16xi32>,
      %gather3A_72 = tpu.vector_load_idx %arg6[%get3A_71] : memref<10240xf32, #tpu.memory_space<vmem>>[vector<16xi32>], vector<16xf32>,
      %add3A_73 = arith.addf %add3A_63, %gather3A_72 : vector<16xf32>
      %gather3A_74 = tpu.vector_load_idx %arg7[%get3A_71] : memref<10240xf32, #tpu.memory_space<vmem>>[vector<16xi32>], vector<16xf32>,
      %add3A_75 = arith.addf %add3A_65, %gather3A_74 : vector<16xf32>
      %gather3A_76 = tpu.vector_load_idx %arg8[%get3A_71] : memref<10240xf32, #tpu.memory_space<vmem>>[vector<16xi32>], vector<16xf32>,
      %add3A_77 = arith.addf %add3A_67, %gather3A_76 : vector<16xf32>
      %get3A_78 = arith.constant 3 : i32
      %get3A_79 = arith.index_cast %get3A_78 : i32 to index
      %get3A_80 = arith.index_cast %mul3A_43 : i32 to index
      %get3A_81 = tpu.vector_load %arg13[%get3A_79, %get3A_80] {strides = array<i32>} : memref<9x320xi32, #tpu.memory_space<vmem>>, vector<16xi32>,
      %gather3A_82 = tpu.vector_load_idx %arg6[%get3A_81] : memref<10240xf32, #tpu.memory_space<vmem>>[vector<16xi32>], vector<16xf32>,
      %add3A_83 = arith.addf %add3A_73, %gather3A_82 : vector<16xf32>
      %gather3A_84 = tpu.vector_load_idx %arg7[%get3A_81] : memref<10240xf32, #tpu.memory_space<vmem>>[vector<16xi32>], vector<16xf32>,
      %add3A_85 = arith.addf %add3A_75, %gather3A_84 : vector<16xf32>
      %gather3A_86 = tpu.vector_load_idx %arg8[%get3A_81] : memref<10240xf32, #tpu.memory_space<vmem>>[vector<16xi32>], vector<16xf32>,
      %add3A_87 = arith.addf %add3A_77, %gather3A_86 : vector<16xf32>
      %get3A_88 = arith.constant 4 : i32
      %get3A_89 = arith.index_cast %get3A_88 : i32 to index
      %get3A_90 = arith.index_cast %mul3A_43 : i32 to index
      %get3A_91 = tpu.vector_load %arg13[%get3A_89, %get3A_90] {strides = array<i32>} : memref<9x320xi32, #tpu.memory_space<vmem>>, vector<16xi32>,
      %gather3A_92 = tpu.vector_load_idx %arg6[%get3A_91] : memref<10240xf32, #tpu.memory_space<vmem>>[vector<16xi32>], vector<16xf32>,
      %add3A_93 = arith.addf %add3A_83, %gather3A_92 : vector<16xf32>
      %gather3A_94 = tpu.vector_load_idx %arg7[%get3A_91] : memref<10240xf32, #tpu.memory_space<vmem>>[vector<16xi32>], vector<16xf32>,
      %add3A_95 = arith.addf %add3A_85, %gather3A_94 : vector<16xf32>
      %gather3A_96 = tpu.vector_load_idx %arg8[%get3A_91] : memref<10240xf32, #tpu.memory_space<vmem>>[vector<16xi32>], vector<16xf32>,
      %add3A_97 = arith.addf %add3A_87, %gather3A_96 : vector<16xf32>
      %get3A_98 = arith.constant 5 : i32
      %get3A_99 = arith.index_cast %get3A_98 : i32 to index
      %get3A_100 = arith.index_cast %mul3A_43 : i32 to index
      %get3A_101 = tpu.vector_load %arg13[%get3A_99, %get3A_100] {strides = array<i32>} : memref<9x320xi32, #tpu.memory_space<vmem>>, vector<16xi32>,
      %gather3A_102 = tpu.vector_load_idx %arg6[%get3A_101] : memref<10240xf32, #tpu.memory_space<vmem>>[vector<16xi32>], vector<16xf32>,
      %add3A_103 = arith.addf %add3A_93, %gather3A_102 : vector<16xf32>
      %gather3A_104 = tpu.vector_load_idx %arg7[%get3A_101] : memref<10240xf32, #tpu.memory_space<vmem>>[vector<16xi32>], vector<16xf32>,
      %add3A_105 = arith.addf %add3A_95, %gather3A_104 : vector<16xf32>
      %gather3A_106 = tpu.vector_load_idx %arg8[%get3A_101] : memref<10240xf32, #tpu.memory_space<vmem>>[vector<16xi32>], vector<16xf32>,
      %add3A_107 = arith.addf %add3A_97, %gather3A_106 : vector<16xf32>
      %get3A_108 = arith.constant 6 : i32
      %get3A_109 = arith.index_cast %get3A_108 : i32 to index
      %get3A_110 = arith.index_cast %mul3A_43 : i32 to index
      %get3A_111 = tpu.vector_load %arg13[%get3A_109, %get3A_110] {strides = array<i32>} : memref<9x320xi32, #tpu.memory_space<vmem>>, vector<16xi32>,
      %gather3A_112 = tpu.vector_load_idx %arg6[%get3A_111] : memref<10240xf32, #tpu.memory_space<vmem>>[vector<16xi32>], vector<16xf32>,
      %add3A_113 = arith.addf %add3A_103, %gather3A_112 : vector<16xf32>
      %gather3A_114 = tpu.vector_load_idx %arg7[%get3A_111] : memref<10240xf32, #tpu.memory_space<vmem>>[vector<16xi32>], vector<16xf32>,
      %add3A_115 = arith.addf %add3A_105, %gather3A_114 : vector<16xf32>
      %gather3A_116 = tpu.vector_load_idx %arg8[%get3A_111] : memref<10240xf32, #tpu.memory_space<vmem>>[vector<16xi32>], vector<16xf32>,
      %add3A_117 = arith.addf %add3A_107, %gather3A_116 : vector<16xf32>
      %get3A_118 = arith.constant 7 : i32
      %get3A_119 = arith.index_cast %get3A_118 : i32 to index
      %get3A_120 = arith.index_cast %mul3A_43 : i32 to index
      %get3A_121 = tpu.vector_load %arg13[%get3A_119, %get3A_120] {strides = array<i32>} : memref<9x320xi32, #tpu.memory_space<vmem>>, vector<16xi32>,
      %gather3A_122 = tpu.vector_load_idx %arg6[%get3A_121] : memref<10240xf32, #tpu.memory_space<vmem>>[vector<16xi32>], vector<16xf32>,
      %add3A_123 = arith.addf %add3A_113, %gather3A_122 : vector<16xf32>
      %gather3A_124 = tpu.vector_load_idx %arg7[%get3A_121] : memref<10240xf32, #tpu.memory_space<vmem>>[vector<16xi32>], vector<16xf32>,
      %add3A_125 = arith.addf %add3A_115, %gather3A_124 : vector<16xf32>
      %gather3A_126 = tpu.vector_load_idx %arg8[%get3A_121] : memref<10240xf32, #tpu.memory_space<vmem>>[vector<16xi32>], vector<16xf32>,
      %add3A_127 = arith.addf %add3A_117, %gather3A_126 : vector<16xf32>
      %get3A_128 = arith.constant 8 : i32
      %get3A_129 = arith.index_cast %get3A_128 : i32 to index
      %get3A_130 = arith.index_cast %mul3A_43 : i32 to index
      %get3A_131 = tpu.vector_load %arg13[%get3A_129, %get3A_130] {strides = array<i32>} : memref<9x320xi32, #tpu.memory_space<vmem>>, vector<16xi32>,
      %gather3A_132 = tpu.vector_load_idx %arg6[%get3A_131] : memref<10240xf32, #tpu.memory_space<vmem>>[vector<16xi32>], vector<16xf32>,
      %add3A_133 = arith.addf %add3A_123, %gather3A_132 : vector<16xf32>
      %gather3A_134 = tpu.vector_load_idx %arg7[%get3A_131] : memref<10240xf32, #tpu.memory_space<vmem>>[vector<16xi32>], vector<16xf32>,
      %add3A_135 = arith.addf %add3A_125, %gather3A_134 : vector<16xf32>
      %gather3A_136 = tpu.vector_load_idx %arg8[%get3A_131] : memref<10240xf32, #tpu.memory_space<vmem>>[vector<16xi32>], vector<16xf32>,
      %add3A_137 = arith.addf %add3A_127, %gather3A_136 : vector<16xf32>
      %mul3A_138 = arith.constant 16 : i32
      %mul3A_139 = arith.muli %add3A_41, %mul3A_138 : i32
      %add3A_140 = arith.addi %mul3A_2, %mul3A_139 : i32
      %get3A_141 = arith.index_cast %add3A_140 : i32 to index
      %get3A_142 = tpu.vector_load %arg9[%get3A_141] {strides = array<i32>} : memref<10240xf32, #tpu.memory_space<vmem>>, vector<16xf32>,
      %add3A_143 = arith.addf %get3A_142, %add3A_133 : vector<16xf32>
      %swap3A = arith.index_cast %add3A_140 : i32 to index
      %swap3A_144 = tpu.vector_load %arg9[%swap3A] {strides = array<i32>} : memref<10240xf32, #tpu.memory_space<vmem>>, vector<16xf32>,
      tpu.vector_store %arg9[%swap3A], %add3A_143 {strides = array<i32>} : memref<10240xf32, #tpu.memory_space<vmem>>, vector<16xf32>,
      %get3A_145 = arith.index_cast %add3A_140 : i32 to index
      %get3A_146 = tpu.vector_load %arg10[%get3A_145] {strides = array<i32>} : memref<10240xf32, #tpu.memory_space<vmem>>, vector<16xf32>,
      %add3A_147 = arith.addf %get3A_146, %add3A_135 : vector<16xf32>
      %swap3A_148 = arith.index_cast %add3A_140 : i32 to index
      %swap3A_149 = tpu.vector_load %arg10[%swap3A_148] {strides = array<i32>} : memref<10240xf32, #tpu.memory_space<vmem>>, vector<16xf32>,
      tpu.vector_store %arg10[%swap3A_148], %add3A_147 {strides = array<i32>} : memref<10240xf32, #tpu.memory_space<vmem>>, vector<16xf32>,
      %get3A_150 = arith.index_cast %add3A_140 : i32 to index
      %get3A_151 = tpu.vector_load %arg11[%get3A_150] {strides = array<i32>} : memref<10240xf32, #tpu.memory_space<vmem>>, vector<16xf32>,
      %add3A_152 = arith.addf %get3A_151, %add3A_137 : vector<16xf32>
      %swap3A_153 = arith.index_cast %add3A_140 : i32 to index
      %swap3A_154 = tpu.vector_load %arg11[%swap3A_153] {strides = array<i32>} : memref<10240xf32, #tpu.memory_space<vmem>>, vector<16xf32>,
      tpu.vector_store %arg11[%swap3A_153], %add3A_152 {strides = array<i32>} : memref<10240xf32, #tpu.memory_space<vmem>>, vector<16xf32>,
    }
    %scan3A_17 = arith.constant 20 : i32
    %broadcast_in_dim3A_18 = arith.constant 1.000000e+00 : f32
    %broadcast_in_dim3A_19 = vector.broadcast %broadcast_in_dim3A_18 : f32 to vector<16xf32>
    %iota3A = tpu.iota {dimensions = array<i32: 0>} : vector<16xi32>
    %lt3A = arith.constant 9 : i32
    %lt3A_20 = vector.broadcast %lt3A : i32 to vector<16xi32>
    %lt3A_21 = arith.cmpi slt, %iota3A, %lt3A_20 : vector<16xi32>
    %broadcast_in_dim3A_22 = arith.constant 0 : i32
    %broadcast_in_dim3A_23 = vector.broadcast %broadcast_in_dim3A_22 : i32 to vector<16xi32>
    %scan3A_24 = arith.constant 0 : i32
    %scan3A_25 = arith.constant 320 : i32
    %scan3A_26 = arith.addi %scan3A_24, %scan3A_25 : i32
    %scan3A_27 = arith.constant 1 : i32
    scf.for %scan3A_37 = %scan3A_24 to %scan3A_26 step %scan3A_27  : i32 {
      %mul3A_38 = arith.constant 1 : i32
      %mul3A_39 = arith.muli %scan3A_37, %mul3A_38 : i32
      %add3A_40 = arith.constant 0 : i32
      %add3A_41 = arith.addi %add3A_40, %mul3A_39 : i32
      %get3A = arith.index_cast %add3A_41 : i32 to index
      %get3A_42 = arith.constant 0 : index
      %get3A_43 = tpu.vector_load %arg14[%get3A, %get3A_42] {strides = array<i32>} : memref<320x16xi32, #tpu.memory_space<vmem>>, vector<16xi32>,
      %add3A_44 = arith.addi %mul3A_2, %add3A_41 : i32
      %add3A_45 = vector.broadcast %add3A_44 : i32 to vector<16xi32>
      %add3A_46 = arith.addi %broadcast_in_dim3A_23, %add3A_45 : vector<16xi32>
      %gather3A = tpu.vector_load_idx %arg6[%add3A_46] : memref<10240xf32, #tpu.memory_space<vmem>>[vector<16xi32>], vector<16xf32>,
      %gather3A_47 = tpu.vector_load_idx %arg7[%add3A_46] : memref<10240xf32, #tpu.memory_space<vmem>>[vector<16xi32>], vector<16xf32>,
      %gather3A_48 = tpu.vector_load_idx %arg8[%add3A_46] : memref<10240xf32, #tpu.memory_space<vmem>>[vector<16xi32>], vector<16xf32>,
      tpu.vector_store_idx %arg9[%get3A_43], %gather3A masked %lt3A_21 {add = true} : memref<10240xf32, #tpu.memory_space<vmem>>[vector<16xi32>], vector<16xf32>, vector<16xi1>
      tpu.vector_store_idx %arg10[%get3A_43], %gather3A_47 masked %lt3A_21 {add = true} : memref<10240xf32, #tpu.memory_space<vmem>>[vector<16xi32>], vector<16xf32>, vector<16xi1>
      tpu.vector_store_idx %arg11[%get3A_43], %gather3A_48 masked %lt3A_21 {add = true} : memref<10240xf32, #tpu.memory_space<vmem>>[vector<16xi32>], vector<16xf32>, vector<16xi1>
      tpu.vector_store_idx %arg12[%get3A_43], %broadcast_in_dim3A_19 masked %lt3A_21 {add = true} : memref<10240xf32, #tpu.memory_space<vmem>>[vector<16xi32>], vector<16xf32>, vector<16xi1>
    }
    %scan3A_28 = arith.constant 320 : i32
    %run_scoped3A_29 = arith.constant 0 : i32
    %run_scoped3A_30 = arith.constant 0 : i32
    "tpu.region"() ({
      %run_scoped3A_37 = tpu.sem_alloc : memref<!tpu.dma_semaphore, #tpu.memory_space<semaphore_mem>>
      %dma_start3A = arith.constant 0 : i32
      %dma_start3A_38 = tpu.memref_slice %arg5[%add3A, %run_scoped3A_29, %run_scoped3A_30, %dma_start3A] : memref<32x4x1x10240xf32, #tpu.memory_space<hbm>> -> memref<1x1x1x10240xf32, #tpu.memory_space<hbm>>
      %dma_start3A_39 = tpu.memref_squeeze %dma_start3A_38 : memref<1x1x1x10240xf32, #tpu.memory_space<hbm>> -> memref<10240xf32, #tpu.memory_space<hbm>>
      %dma_start3A_40 = arith.constant 0 : i32
      %dma_start3A_41 = tpu.memref_slice %arg5[%add3A, %run_scoped3A_29, %run_scoped3A_30, %dma_start3A_40] : memref<32x4x1x10240xf32, #tpu.memory_space<hbm>> -> memref<1x1x1x10240xf32, #tpu.memory_space<hbm>>
      %dma_start3A_42 = tpu.memref_squeeze %dma_start3A_41 : memref<1x1x1x10240xf32, #tpu.memory_space<hbm>> -> memref<10240xf32, #tpu.memory_space<hbm>>
      tpu.enqueue_dma source(%arg9 : memref<10240xf32, #tpu.memory_space<vmem>>) target(%dma_start3A_42 : memref<10240xf32, #tpu.memory_space<hbm>>) target_semaphore(%run_scoped3A_37 : memref<!tpu.dma_semaphore, #tpu.memory_space<semaphore_mem>>)
      %dma_wait3A = arith.constant 0 : i32
      %dma_wait3A_43 = tpu.memref_slice %arg5[%add3A, %run_scoped3A_29, %run_scoped3A_30, %dma_wait3A] : memref<32x4x1x10240xf32, #tpu.memory_space<hbm>> -> memref<1x1x1x10240xf32, #tpu.memory_space<hbm>>
      %dma_wait3A_44 = tpu.memref_squeeze %dma_wait3A_43 : memref<1x1x1x10240xf32, #tpu.memory_space<hbm>> -> memref<10240xf32, #tpu.memory_space<hbm>>
      %dma_wait3A_45 = arith.constant 0 : i32
      %dma_wait3A_46 = tpu.memref_slice %arg5[%add3A, %run_scoped3A_29, %run_scoped3A_30, %dma_wait3A_45] : memref<32x4x1x10240xf32, #tpu.memory_space<hbm>> -> memref<1x1x1x10240xf32, #tpu.memory_space<hbm>>
      %dma_wait3A_47 = tpu.memref_squeeze %dma_wait3A_46 : memref<1x1x1x10240xf32, #tpu.memory_space<hbm>> -> memref<10240xf32, #tpu.memory_space<hbm>>
      tpu.wait_dma2 semaphore(%run_scoped3A_37 : memref<!tpu.dma_semaphore, #tpu.memory_space<semaphore_mem>>) src(%arg9 : memref<10240xf32, #tpu.memory_space<vmem>>) dst(%dma_wait3A_47 : memref<10240xf32, #tpu.memory_space<hbm>>)
      tpu.yield
    }) : () -> ()
    %run_scoped3A_31 = arith.constant 1 : i32
    %run_scoped3A_32 = arith.constant 0 : i32
    "tpu.region"() ({
      %run_scoped3A_37 = tpu.sem_alloc : memref<!tpu.dma_semaphore, #tpu.memory_space<semaphore_mem>>
      %dma_start3A = arith.constant 0 : i32
      %dma_start3A_38 = tpu.memref_slice %arg5[%add3A, %run_scoped3A_31, %run_scoped3A_32, %dma_start3A] : memref<32x4x1x10240xf32, #tpu.memory_space<hbm>> -> memref<1x1x1x10240xf32, #tpu.memory_space<hbm>>
      %dma_start3A_39 = tpu.memref_squeeze %dma_start3A_38 : memref<1x1x1x10240xf32, #tpu.memory_space<hbm>> -> memref<10240xf32, #tpu.memory_space<hbm>>
      %dma_start3A_40 = arith.constant 0 : i32
      %dma_start3A_41 = tpu.memref_slice %arg5[%add3A, %run_scoped3A_31, %run_scoped3A_32, %dma_start3A_40] : memref<32x4x1x10240xf32, #tpu.memory_space<hbm>> -> memref<1x1x1x10240xf32, #tpu.memory_space<hbm>>
      %dma_start3A_42 = tpu.memref_squeeze %dma_start3A_41 : memref<1x1x1x10240xf32, #tpu.memory_space<hbm>> -> memref<10240xf32, #tpu.memory_space<hbm>>
      tpu.enqueue_dma source(%arg10 : memref<10240xf32, #tpu.memory_space<vmem>>) target(%dma_start3A_42 : memref<10240xf32, #tpu.memory_space<hbm>>) target_semaphore(%run_scoped3A_37 : memref<!tpu.dma_semaphore, #tpu.memory_space<semaphore_mem>>)
      %dma_wait3A = arith.constant 0 : i32
      %dma_wait3A_43 = tpu.memref_slice %arg5[%add3A, %run_scoped3A_31, %run_scoped3A_32, %dma_wait3A] : memref<32x4x1x10240xf32, #tpu.memory_space<hbm>> -> memref<1x1x1x10240xf32, #tpu.memory_space<hbm>>
      %dma_wait3A_44 = tpu.memref_squeeze %dma_wait3A_43 : memref<1x1x1x10240xf32, #tpu.memory_space<hbm>> -> memref<10240xf32, #tpu.memory_space<hbm>>
      %dma_wait3A_45 = arith.constant 0 : i32
      %dma_wait3A_46 = tpu.memref_slice %arg5[%add3A, %run_scoped3A_31, %run_scoped3A_32, %dma_wait3A_45] : memref<32x4x1x10240xf32, #tpu.memory_space<hbm>> -> memref<1x1x1x10240xf32, #tpu.memory_space<hbm>>
      %dma_wait3A_47 = tpu.memref_squeeze %dma_wait3A_46 : memref<1x1x1x10240xf32, #tpu.memory_space<hbm>> -> memref<10240xf32, #tpu.memory_space<hbm>>
      tpu.wait_dma2 semaphore(%run_scoped3A_37 : memref<!tpu.dma_semaphore, #tpu.memory_space<semaphore_mem>>) src(%arg10 : memref<10240xf32, #tpu.memory_space<vmem>>) dst(%dma_wait3A_47 : memref<10240xf32, #tpu.memory_space<hbm>>)
      tpu.yield
    }) : () -> ()
    %run_scoped3A_33 = arith.constant 2 : i32
    %run_scoped3A_34 = arith.constant 0 : i32
    "tpu.region"() ({
      %run_scoped3A_37 = tpu.sem_alloc : memref<!tpu.dma_semaphore, #tpu.memory_space<semaphore_mem>>
      %dma_start3A = arith.constant 0 : i32
      %dma_start3A_38 = tpu.memref_slice %arg5[%add3A, %run_scoped3A_33, %run_scoped3A_34, %dma_start3A] : memref<32x4x1x10240xf32, #tpu.memory_space<hbm>> -> memref<1x1x1x10240xf32, #tpu.memory_space<hbm>>
      %dma_start3A_39 = tpu.memref_squeeze %dma_start3A_38 : memref<1x1x1x10240xf32, #tpu.memory_space<hbm>> -> memref<10240xf32, #tpu.memory_space<hbm>>
      %dma_start3A_40 = arith.constant 0 : i32
      %dma_start3A_41 = tpu.memref_slice %arg5[%add3A, %run_scoped3A_33, %run_scoped3A_34, %dma_start3A_40] : memref<32x4x1x10240xf32, #tpu.memory_space<hbm>> -> memref<1x1x1x10240xf32, #tpu.memory_space<hbm>>
      %dma_start3A_42 = tpu.memref_squeeze %dma_start3A_41 : memref<1x1x1x10240xf32, #tpu.memory_space<hbm>> -> memref<10240xf32, #tpu.memory_space<hbm>>
      tpu.enqueue_dma source(%arg11 : memref<10240xf32, #tpu.memory_space<vmem>>) target(%dma_start3A_42 : memref<10240xf32, #tpu.memory_space<hbm>>) target_semaphore(%run_scoped3A_37 : memref<!tpu.dma_semaphore, #tpu.memory_space<semaphore_mem>>)
      %dma_wait3A = arith.constant 0 : i32
      %dma_wait3A_43 = tpu.memref_slice %arg5[%add3A, %run_scoped3A_33, %run_scoped3A_34, %dma_wait3A] : memref<32x4x1x10240xf32, #tpu.memory_space<hbm>> -> memref<1x1x1x10240xf32, #tpu.memory_space<hbm>>
      %dma_wait3A_44 = tpu.memref_squeeze %dma_wait3A_43 : memref<1x1x1x10240xf32, #tpu.memory_space<hbm>> -> memref<10240xf32, #tpu.memory_space<hbm>>
      %dma_wait3A_45 = arith.constant 0 : i32
      %dma_wait3A_46 = tpu.memref_slice %arg5[%add3A, %run_scoped3A_33, %run_scoped3A_34, %dma_wait3A_45] : memref<32x4x1x10240xf32, #tpu.memory_space<hbm>> -> memref<1x1x1x10240xf32, #tpu.memory_space<hbm>>
      %dma_wait3A_47 = tpu.memref_squeeze %dma_wait3A_46 : memref<1x1x1x10240xf32, #tpu.memory_space<hbm>> -> memref<10240xf32, #tpu.memory_space<hbm>>
      tpu.wait_dma2 semaphore(%run_scoped3A_37 : memref<!tpu.dma_semaphore, #tpu.memory_space<semaphore_mem>>) src(%arg11 : memref<10240xf32, #tpu.memory_space<vmem>>) dst(%dma_wait3A_47 : memref<10240xf32, #tpu.memory_space<hbm>>)
      tpu.yield
    }) : () -> ()
    %run_scoped3A_35 = arith.constant 3 : i32
    %run_scoped3A_36 = arith.constant 0 : i32
    "tpu.region"() ({
      %run_scoped3A_37 = tpu.sem_alloc : memref<!tpu.dma_semaphore, #tpu.memory_space<semaphore_mem>>
      %dma_start3A = arith.constant 0 : i32
      %dma_start3A_38 = tpu.memref_slice %arg5[%add3A, %run_scoped3A_35, %run_scoped3A_36, %dma_start3A] : memref<32x4x1x10240xf32, #tpu.memory_space<hbm>> -> memref<1x1x1x10240xf32, #tpu.memory_space<hbm>>
      %dma_start3A_39 = tpu.memref_squeeze %dma_start3A_38 : memref<1x1x1x10240xf32, #tpu.memory_space<hbm>> -> memref<10240xf32, #tpu.memory_space<hbm>>
      %dma_start3A_40 = arith.constant 0 : i32
      %dma_start3A_41 = tpu.memref_slice %arg5[%add3A, %run_scoped3A_35, %run_scoped3A_36, %dma_start3A_40] : memref<32x4x1x10240xf32, #tpu.memory_space<hbm>> -> memref<1x1x1x10240xf32, #tpu.memory_space<hbm>>
      %dma_start3A_42 = tpu.memref_squeeze %dma_start3A_41 : memref<1x1x1x10240xf32, #tpu.memory_space<hbm>> -> memref<10240xf32, #tpu.memory_space<hbm>>
      tpu.enqueue_dma source(%arg12 : memref<10240xf32, #tpu.memory_space<vmem>>) target(%dma_start3A_42 : memref<10240xf32, #tpu.memory_space<hbm>>) target_semaphore(%run_scoped3A_37 : memref<!tpu.dma_semaphore, #tpu.memory_space<semaphore_mem>>)
      %dma_wait3A = arith.constant 0 : i32
      %dma_wait3A_43 = tpu.memref_slice %arg5[%add3A, %run_scoped3A_35, %run_scoped3A_36, %dma_wait3A] : memref<32x4x1x10240xf32, #tpu.memory_space<hbm>> -> memref<1x1x1x10240xf32, #tpu.memory_space<hbm>>
      %dma_wait3A_44 = tpu.memref_squeeze %dma_wait3A_43 : memref<1x1x1x10240xf32, #tpu.memory_space<hbm>> -> memref<10240xf32, #tpu.memory_space<hbm>>
      %dma_wait3A_45 = arith.constant 0 : i32
      %dma_wait3A_46 = tpu.memref_slice %arg5[%add3A, %run_scoped3A_35, %run_scoped3A_36, %dma_wait3A_45] : memref<32x4x1x10240xf32, #tpu.memory_space<hbm>> -> memref<1x1x1x10240xf32, #tpu.memory_space<hbm>>
      %dma_wait3A_47 = tpu.memref_squeeze %dma_wait3A_46 : memref<1x1x1x10240xf32, #tpu.memory_space<hbm>> -> memref<10240xf32, #tpu.memory_space<hbm>>
      tpu.wait_dma2 semaphore(%run_scoped3A_37 : memref<!tpu.dma_semaphore, #tpu.memory_space<semaphore_mem>>) src(%arg12 : memref<10240xf32, #tpu.memory_space<vmem>>) dst(%dma_wait3A_47 : memref<10240xf32, #tpu.memory_space<hbm>>)
      tpu.yield
    }) : () -> ()
    return
  }
}

module attributes {stable_mosaic.version = 14 : i64} {
  func.func @_knn_body(%arg0: i32, %arg1: memref<10240x4xf32, #tpu.memory_space<vmem>>, %arg2: memref<256x4xf32, #tpu.memory_space<vmem>>, %arg3: memref<16x256xi32, #tpu.memory_space<vmem>>, %arg4: memref<256x10240xf32, #tpu.memory_space<vmem>>) attributes {dimension_semantics = [#tpu.dimension_semantics<arbitrary>], iteration_bounds = array<i64: 40>, scalar_prefetch = 0 : i64, scratch_operands = 1 : i64, tpu.core_type = #tpu.core_type<tc>, window_params = [{pipeline_mode = #tpu.pipeline_mode<synchronous>, transform_indices = @transform_0, window_bounds = array<i64: 10240, 4>}, {transform_indices = @transform_1, window_bounds = array<i64: 256, 4>}, {transform_indices = @transform_2, window_bounds = array<i64: 16, 256>}]} {
    %get3A = arith.constant 0 : index
    %get3A_0 = arith.constant 0 : index
    %get3A_1 = vector.load %arg1[%get3A, %get3A_0] : memref<10240x4xf32, #tpu.memory_space<vmem>>, vector<10240x4xf32>
    %get3A_2 = arith.constant 0 : index
    %get3A_3 = arith.constant 0 : index
    %get3A_4 = vector.load %arg2[%get3A_2, %get3A_3] : memref<256x4xf32, #tpu.memory_space<vmem>>, vector<256x4xf32>
    %mul3A = arith.mulf %get3A_1, %get3A_1 : vector<10240x4xf32>
    %reduce_sum3A = arith.constant dense<0.000000e+00> : vector<10240xf32>
    %reduce_sum3A_5 = vector.multi_reduction <add>, %mul3A, %reduce_sum3A [1] : vector<10240x4xf32> to vector<10240xf32>
    %mul3A_6 = arith.mulf %get3A_4, %get3A_4 : vector<256x4xf32>
    %reduce_sum3A_7 = arith.constant dense<0.000000e+00> : vector<256xf32>
    %reduce_sum3A_8 = vector.multi_reduction <add>, %mul3A_6, %reduce_sum3A_7 [1] : vector<256x4xf32> to vector<256xf32>
    %dot_general3A = arith.constant dense<0.000000e+00> : vector<256x10240xf32>
    %dot_general3A_9 = tpu.matmul %get3A_4, %get3A_1, %dot_general3A {dimension_numbers = #tpu.dot_dimension_numbers<[1], [1], [0], [0], [0, 0, 1, 0], [], []>, transpose_lhs_hint = false} : vector<256x4xf32>, vector<10240x4xf32>, vector<256x10240xf32> -> vector<256x10240xf32>
    %broadcast_in_dim3A = vector.shape_cast %reduce_sum3A_8 : vector<256xf32> to vector<256x1xf32>
    %broadcast_in_dim3A_10 = vector.shape_cast %reduce_sum3A_5 : vector<10240xf32> to vector<1x10240xf32>
    %add3A = vector.broadcast %broadcast_in_dim3A : vector<256x1xf32> to vector<256x10240xf32>
    %add3A_11 = vector.broadcast %broadcast_in_dim3A_10 : vector<1x10240xf32> to vector<256x10240xf32>
    %add3A_12 = arith.addf %add3A, %add3A_11 : vector<256x10240xf32>
    %mul3A_13 = arith.constant 2.000000e+00 : f32
    %mul3A_14 = vector.broadcast %mul3A_13 : f32 to vector<256x10240xf32>
    %mul3A_15 = arith.mulf %mul3A_14, %dot_general3A_9 : vector<256x10240xf32>
    %sub3A = arith.subf %add3A_12, %mul3A_15 : vector<256x10240xf32>
    %iota3A = tpu.iota {dimensions = array<i32: 1>} : vector<256x10240xi32>
    %bitcast_convert_type3A = tpu.bitcast %sub3A : vector<256x10240xf32> -> vector<256x10240xi32>
    %and3A = arith.constant -16384 : i32
    %and3A_16 = vector.broadcast %and3A : i32 to vector<256x10240xi32>
    %and3A_17 = arith.andi %bitcast_convert_type3A, %and3A_16 : vector<256x10240xi32>
    %or3A = arith.ori %and3A_17, %iota3A : vector<256x10240xi32>
    %bitcast_convert_type3A_18 = tpu.bitcast %or3A : vector<256x10240xi32> -> vector<256x10240xf32>
    %swap3A = arith.constant 0 : index
    %swap3A_19 = arith.constant 0 : index
    %swap3A_20 = vector.load %arg4[%swap3A, %swap3A_19] : memref<256x10240xf32, #tpu.memory_space<vmem>>, vector<256x10240xf32>
    tpu.vector_store %arg4[%swap3A, %swap3A_19], %bitcast_convert_type3A_18 {strides = array<i32>} : memref<256x10240xf32, #tpu.memory_space<vmem>>, vector<256x10240xf32>,
    %mul3A_21 = arith.constant 256 : i32
    %mul3A_22 = arith.muli %arg0, %mul3A_21 : i32
    %iota3A_23 = tpu.iota {dimensions = array<i32: 1>} : vector<1x256xi32>
    %iota3A_24 = vector.shape_cast %iota3A_23 : vector<1x256xi32> to vector<256xi32>
    %add3A_25 = vector.broadcast %mul3A_22 : i32 to vector<256xi32>
    %add3A_26 = arith.addi %add3A_25, %iota3A_24 : vector<256xi32>
    %lt3A = arith.constant 10000 : i32
    %lt3A_27 = vector.broadcast %lt3A : i32 to vector<256xi32>
    %lt3A_28 = arith.cmpi slt, %add3A_26, %lt3A_27 : vector<256xi32>
    %broadcast_in_dim3A_29 = arith.constant 10239 : i32
    %broadcast_in_dim3A_30 = vector.broadcast %broadcast_in_dim3A_29 : i32 to vector<256xi32>
    %get3A_31 = arith.constant 0 : index
    %get3A_32 = arith.constant 0 : index
    %get3A_33 = vector.load %arg4[%get3A_31, %get3A_32] : memref<256x10240xf32, #tpu.memory_space<vmem>>, vector<256x10240xf32>
    %reduce_min3A = arith.constant dense<0x7F800000> : vector<256xf32>
    %reduce_min3A_34 = vector.multi_reduction <minimumf>, %get3A_33, %reduce_min3A [1] : vector<256x10240xf32> to vector<256xf32>
    %broadcast_in_dim3A_35 = vector.shape_cast %reduce_min3A_34 : vector<256xf32> to vector<256x1xf32>
    %eq3A = vector.broadcast %broadcast_in_dim3A_35 : vector<256x1xf32> to vector<256x10240xf32>
    %eq3A_36 = arith.cmpf oeq, %get3A_33, %eq3A : vector<256x10240xf32>
    %jit3A = arith.constant 0x7F800000 : f32
    %broadcast_in_dim3A_37 = vector.broadcast %jit3A : f32 to vector<256x10240xf32>
    %select_n3A = arith.select %eq3A_36, %broadcast_in_dim3A_37, %get3A_33 : vector<256x10240xi1>, vector<256x10240xf32>
    %swap3A_38 = arith.constant 0 : index
    %swap3A_39 = arith.constant 0 : index
    %swap3A_40 = vector.load %arg4[%swap3A_38, %swap3A_39] : memref<256x10240xf32, #tpu.memory_space<vmem>>, vector<256x10240xf32>
    tpu.vector_store %arg4[%swap3A_38, %swap3A_39], %select_n3A {strides = array<i32>} : memref<256x10240xf32, #tpu.memory_space<vmem>>, vector<256x10240xf32>,
    %get3A_41 = arith.constant 0 : index
    %get3A_42 = arith.constant 0 : index
    %get3A_43 = vector.load %arg4[%get3A_41, %get3A_42] : memref<256x10240xf32, #tpu.memory_space<vmem>>, vector<256x10240xf32>
    %reduce_min3A_44 = arith.constant dense<0x7F800000> : vector<256xf32>
    %reduce_min3A_45 = vector.multi_reduction <minimumf>, %get3A_43, %reduce_min3A_44 [1] : vector<256x10240xf32> to vector<256xf32>
    %bitcast_convert_type3A_46 = tpu.bitcast %reduce_min3A_45 : vector<256xf32> -> vector<256xi32>
    %and3A_47 = arith.constant 16383 : i32
    %and3A_48 = vector.broadcast %and3A_47 : i32 to vector<256xi32>
    %and3A_49 = arith.andi %bitcast_convert_type3A_46, %and3A_48 : vector<256xi32>
    %select_n3A_50 = arith.select %lt3A_28, %and3A_49, %broadcast_in_dim3A_30 : vector<256xi1>, vector<256xi32>
    %swap3A_51 = arith.constant 1 : index
    %swap3A_52 = arith.constant 0 : index
    %swap3A_53 = vector.load %arg3[%swap3A_51, %swap3A_52] : memref<16x256xi32, #tpu.memory_space<vmem>>, vector<1x256xi32>
    %swap3A_54 = vector.shape_cast %swap3A_53 : vector<1x256xi32> to vector<256xi32>
    %swap3A_55 = vector.shape_cast %select_n3A_50 : vector<256xi32> to vector<1x256xi32>
    tpu.vector_store %arg3[%swap3A_51, %swap3A_52], %swap3A_55 {strides = array<i32>} : memref<16x256xi32, #tpu.memory_space<vmem>>, vector<1x256xi32>,
    %broadcast_in_dim3A_56 = vector.shape_cast %reduce_min3A_45 : vector<256xf32> to vector<256x1xf32>
    %eq3A_57 = vector.broadcast %broadcast_in_dim3A_56 : vector<256x1xf32> to vector<256x10240xf32>
    %eq3A_58 = arith.cmpf oeq, %get3A_43, %eq3A_57 : vector<256x10240xf32>
    %jit3A_59 = arith.constant 0x7F800000 : f32
    %broadcast_in_dim3A_60 = vector.broadcast %jit3A_59 : f32 to vector<256x10240xf32>
    %select_n3A_61 = arith.select %eq3A_58, %broadcast_in_dim3A_60, %get3A_43 : vector<256x10240xi1>, vector<256x10240xf32>
    %swap3A_62 = arith.constant 0 : index
    %swap3A_63 = arith.constant 0 : index
    %swap3A_64 = vector.load %arg4[%swap3A_62, %swap3A_63] : memref<256x10240xf32, #tpu.memory_space<vmem>>, vector<256x10240xf32>
    tpu.vector_store %arg4[%swap3A_62, %swap3A_63], %select_n3A_61 {strides = array<i32>} : memref<256x10240xf32, #tpu.memory_space<vmem>>, vector<256x10240xf32>,
    %get3A_65 = arith.constant 0 : index
    %get3A_66 = arith.constant 0 : index
    %get3A_67 = vector.load %arg4[%get3A_65, %get3A_66] : memref<256x10240xf32, #tpu.memory_space<vmem>>, vector<256x10240xf32>
    %reduce_min3A_68 = arith.constant dense<0x7F800000> : vector<256xf32>
    %reduce_min3A_69 = vector.multi_reduction <minimumf>, %get3A_67, %reduce_min3A_68 [1] : vector<256x10240xf32> to vector<256xf32>
    %bitcast_convert_type3A_70 = tpu.bitcast %reduce_min3A_69 : vector<256xf32> -> vector<256xi32>
    %and3A_71 = arith.constant 16383 : i32
    %and3A_72 = vector.broadcast %and3A_71 : i32 to vector<256xi32>
    %and3A_73 = arith.andi %bitcast_convert_type3A_70, %and3A_72 : vector<256xi32>
    %select_n3A_74 = arith.select %lt3A_28, %and3A_73, %broadcast_in_dim3A_30 : vector<256xi1>, vector<256xi32>
    %swap3A_75 = arith.constant 2 : index
    %swap3A_76 = arith.constant 0 : index
    %swap3A_77 = vector.load %arg3[%swap3A_75, %swap3A_76] : memref<16x256xi32, #tpu.memory_space<vmem>>, vector<1x256xi32>
    %swap3A_78 = vector.shape_cast %swap3A_77 : vector<1x256xi32> to vector<256xi32>
    %swap3A_79 = vector.shape_cast %select_n3A_74 : vector<256xi32> to vector<1x256xi32>
    tpu.vector_store %arg3[%swap3A_75, %swap3A_76], %swap3A_79 {strides = array<i32>} : memref<16x256xi32, #tpu.memory_space<vmem>>, vector<1x256xi32>,
    %broadcast_in_dim3A_80 = vector.shape_cast %reduce_min3A_69 : vector<256xf32> to vector<256x1xf32>
    %eq3A_81 = vector.broadcast %broadcast_in_dim3A_80 : vector<256x1xf32> to vector<256x10240xf32>
    %eq3A_82 = arith.cmpf oeq, %get3A_67, %eq3A_81 : vector<256x10240xf32>
    %jit3A_83 = arith.constant 0x7F800000 : f32
    %broadcast_in_dim3A_84 = vector.broadcast %jit3A_83 : f32 to vector<256x10240xf32>
    %select_n3A_85 = arith.select %eq3A_82, %broadcast_in_dim3A_84, %get3A_67 : vector<256x10240xi1>, vector<256x10240xf32>
    %swap3A_86 = arith.constant 0 : index
    %swap3A_87 = arith.constant 0 : index
    %swap3A_88 = vector.load %arg4[%swap3A_86, %swap3A_87] : memref<256x10240xf32, #tpu.memory_space<vmem>>, vector<256x10240xf32>
    tpu.vector_store %arg4[%swap3A_86, %swap3A_87], %select_n3A_85 {strides = array<i32>} : memref<256x10240xf32, #tpu.memory_space<vmem>>, vector<256x10240xf32>,
    %get3A_89 = arith.constant 0 : index
    %get3A_90 = arith.constant 0 : index
    %get3A_91 = vector.load %arg4[%get3A_89, %get3A_90] : memref<256x10240xf32, #tpu.memory_space<vmem>>, vector<256x10240xf32>
    %reduce_min3A_92 = arith.constant dense<0x7F800000> : vector<256xf32>
    %reduce_min3A_93 = vector.multi_reduction <minimumf>, %get3A_91, %reduce_min3A_92 [1] : vector<256x10240xf32> to vector<256xf32>
    %bitcast_convert_type3A_94 = tpu.bitcast %reduce_min3A_93 : vector<256xf32> -> vector<256xi32>
    %and3A_95 = arith.constant 16383 : i32
    %and3A_96 = vector.broadcast %and3A_95 : i32 to vector<256xi32>
    %and3A_97 = arith.andi %bitcast_convert_type3A_94, %and3A_96 : vector<256xi32>
    %select_n3A_98 = arith.select %lt3A_28, %and3A_97, %broadcast_in_dim3A_30 : vector<256xi1>, vector<256xi32>
    %swap3A_99 = arith.constant 3 : index
    %swap3A_100 = arith.constant 0 : index
    %swap3A_101 = vector.load %arg3[%swap3A_99, %swap3A_100] : memref<16x256xi32, #tpu.memory_space<vmem>>, vector<1x256xi32>
    %swap3A_102 = vector.shape_cast %swap3A_101 : vector<1x256xi32> to vector<256xi32>
    %swap3A_103 = vector.shape_cast %select_n3A_98 : vector<256xi32> to vector<1x256xi32>
    tpu.vector_store %arg3[%swap3A_99, %swap3A_100], %swap3A_103 {strides = array<i32>} : memref<16x256xi32, #tpu.memory_space<vmem>>, vector<1x256xi32>,
    %broadcast_in_dim3A_104 = vector.shape_cast %reduce_min3A_93 : vector<256xf32> to vector<256x1xf32>
    %eq3A_105 = vector.broadcast %broadcast_in_dim3A_104 : vector<256x1xf32> to vector<256x10240xf32>
    %eq3A_106 = arith.cmpf oeq, %get3A_91, %eq3A_105 : vector<256x10240xf32>
    %jit3A_107 = arith.constant 0x7F800000 : f32
    %broadcast_in_dim3A_108 = vector.broadcast %jit3A_107 : f32 to vector<256x10240xf32>
    %select_n3A_109 = arith.select %eq3A_106, %broadcast_in_dim3A_108, %get3A_91 : vector<256x10240xi1>, vector<256x10240xf32>
    %swap3A_110 = arith.constant 0 : index
    %swap3A_111 = arith.constant 0 : index
    %swap3A_112 = vector.load %arg4[%swap3A_110, %swap3A_111] : memref<256x10240xf32, #tpu.memory_space<vmem>>, vector<256x10240xf32>
    tpu.vector_store %arg4[%swap3A_110, %swap3A_111], %select_n3A_109 {strides = array<i32>} : memref<256x10240xf32, #tpu.memory_space<vmem>>, vector<256x10240xf32>,
    %get3A_113 = arith.constant 0 : index
    %get3A_114 = arith.constant 0 : index
    %get3A_115 = vector.load %arg4[%get3A_113, %get3A_114] : memref<256x10240xf32, #tpu.memory_space<vmem>>, vector<256x10240xf32>
    %reduce_min3A_116 = arith.constant dense<0x7F800000> : vector<256xf32>
    %reduce_min3A_117 = vector.multi_reduction <minimumf>, %get3A_115, %reduce_min3A_116 [1] : vector<256x10240xf32> to vector<256xf32>
    %bitcast_convert_type3A_118 = tpu.bitcast %reduce_min3A_117 : vector<256xf32> -> vector<256xi32>
    %and3A_119 = arith.constant 16383 : i32
    %and3A_120 = vector.broadcast %and3A_119 : i32 to vector<256xi32>
    %and3A_121 = arith.andi %bitcast_convert_type3A_118, %and3A_120 : vector<256xi32>
    %select_n3A_122 = arith.select %lt3A_28, %and3A_121, %broadcast_in_dim3A_30 : vector<256xi1>, vector<256xi32>
    %swap3A_123 = arith.constant 4 : index
    %swap3A_124 = arith.constant 0 : index
    %swap3A_125 = vector.load %arg3[%swap3A_123, %swap3A_124] : memref<16x256xi32, #tpu.memory_space<vmem>>, vector<1x256xi32>
    %swap3A_126 = vector.shape_cast %swap3A_125 : vector<1x256xi32> to vector<256xi32>
    %swap3A_127 = vector.shape_cast %select_n3A_122 : vector<256xi32> to vector<1x256xi32>
    tpu.vector_store %arg3[%swap3A_123, %swap3A_124], %swap3A_127 {strides = array<i32>} : memref<16x256xi32, #tpu.memory_space<vmem>>, vector<1x256xi32>,
    %broadcast_in_dim3A_128 = vector.shape_cast %reduce_min3A_117 : vector<256xf32> to vector<256x1xf32>
    %eq3A_129 = vector.broadcast %broadcast_in_dim3A_128 : vector<256x1xf32> to vector<256x10240xf32>
    %eq3A_130 = arith.cmpf oeq, %get3A_115, %eq3A_129 : vector<256x10240xf32>
    %jit3A_131 = arith.constant 0x7F800000 : f32
    %broadcast_in_dim3A_132 = vector.broadcast %jit3A_131 : f32 to vector<256x10240xf32>
    %select_n3A_133 = arith.select %eq3A_130, %broadcast_in_dim3A_132, %get3A_115 : vector<256x10240xi1>, vector<256x10240xf32>
    %swap3A_134 = arith.constant 0 : index
    %swap3A_135 = arith.constant 0 : index
    %swap3A_136 = vector.load %arg4[%swap3A_134, %swap3A_135] : memref<256x10240xf32, #tpu.memory_space<vmem>>, vector<256x10240xf32>
    tpu.vector_store %arg4[%swap3A_134, %swap3A_135], %select_n3A_133 {strides = array<i32>} : memref<256x10240xf32, #tpu.memory_space<vmem>>, vector<256x10240xf32>,
    %get3A_137 = arith.constant 0 : index
    %get3A_138 = arith.constant 0 : index
    %get3A_139 = vector.load %arg4[%get3A_137, %get3A_138] : memref<256x10240xf32, #tpu.memory_space<vmem>>, vector<256x10240xf32>
    %reduce_min3A_140 = arith.constant dense<0x7F800000> : vector<256xf32>
    %reduce_min3A_141 = vector.multi_reduction <minimumf>, %get3A_139, %reduce_min3A_140 [1] : vector<256x10240xf32> to vector<256xf32>
    %bitcast_convert_type3A_142 = tpu.bitcast %reduce_min3A_141 : vector<256xf32> -> vector<256xi32>
    %and3A_143 = arith.constant 16383 : i32
    %and3A_144 = vector.broadcast %and3A_143 : i32 to vector<256xi32>
    %and3A_145 = arith.andi %bitcast_convert_type3A_142, %and3A_144 : vector<256xi32>
    %select_n3A_146 = arith.select %lt3A_28, %and3A_145, %broadcast_in_dim3A_30 : vector<256xi1>, vector<256xi32>
    %swap3A_147 = arith.constant 5 : index
    %swap3A_148 = arith.constant 0 : index
    %swap3A_149 = vector.load %arg3[%swap3A_147, %swap3A_148] : memref<16x256xi32, #tpu.memory_space<vmem>>, vector<1x256xi32>
    %swap3A_150 = vector.shape_cast %swap3A_149 : vector<1x256xi32> to vector<256xi32>
    %swap3A_151 = vector.shape_cast %select_n3A_146 : vector<256xi32> to vector<1x256xi32>
    tpu.vector_store %arg3[%swap3A_147, %swap3A_148], %swap3A_151 {strides = array<i32>} : memref<16x256xi32, #tpu.memory_space<vmem>>, vector<1x256xi32>,
    %broadcast_in_dim3A_152 = vector.shape_cast %reduce_min3A_141 : vector<256xf32> to vector<256x1xf32>
    %eq3A_153 = vector.broadcast %broadcast_in_dim3A_152 : vector<256x1xf32> to vector<256x10240xf32>
    %eq3A_154 = arith.cmpf oeq, %get3A_139, %eq3A_153 : vector<256x10240xf32>
    %jit3A_155 = arith.constant 0x7F800000 : f32
    %broadcast_in_dim3A_156 = vector.broadcast %jit3A_155 : f32 to vector<256x10240xf32>
    %select_n3A_157 = arith.select %eq3A_154, %broadcast_in_dim3A_156, %get3A_139 : vector<256x10240xi1>, vector<256x10240xf32>
    %swap3A_158 = arith.constant 0 : index
    %swap3A_159 = arith.constant 0 : index
    %swap3A_160 = vector.load %arg4[%swap3A_158, %swap3A_159] : memref<256x10240xf32, #tpu.memory_space<vmem>>, vector<256x10240xf32>
    tpu.vector_store %arg4[%swap3A_158, %swap3A_159], %select_n3A_157 {strides = array<i32>} : memref<256x10240xf32, #tpu.memory_space<vmem>>, vector<256x10240xf32>,
    %get3A_161 = arith.constant 0 : index
    %get3A_162 = arith.constant 0 : index
    %get3A_163 = vector.load %arg4[%get3A_161, %get3A_162] : memref<256x10240xf32, #tpu.memory_space<vmem>>, vector<256x10240xf32>
    %reduce_min3A_164 = arith.constant dense<0x7F800000> : vector<256xf32>
    %reduce_min3A_165 = vector.multi_reduction <minimumf>, %get3A_163, %reduce_min3A_164 [1] : vector<256x10240xf32> to vector<256xf32>
    %bitcast_convert_type3A_166 = tpu.bitcast %reduce_min3A_165 : vector<256xf32> -> vector<256xi32>
    %and3A_167 = arith.constant 16383 : i32
    %and3A_168 = vector.broadcast %and3A_167 : i32 to vector<256xi32>
    %and3A_169 = arith.andi %bitcast_convert_type3A_166, %and3A_168 : vector<256xi32>
    %select_n3A_170 = arith.select %lt3A_28, %and3A_169, %broadcast_in_dim3A_30 : vector<256xi1>, vector<256xi32>
    %swap3A_171 = arith.constant 6 : index
    %swap3A_172 = arith.constant 0 : index
    %swap3A_173 = vector.load %arg3[%swap3A_171, %swap3A_172] : memref<16x256xi32, #tpu.memory_space<vmem>>, vector<1x256xi32>
    %swap3A_174 = vector.shape_cast %swap3A_173 : vector<1x256xi32> to vector<256xi32>
    %swap3A_175 = vector.shape_cast %select_n3A_170 : vector<256xi32> to vector<1x256xi32>
    tpu.vector_store %arg3[%swap3A_171, %swap3A_172], %swap3A_175 {strides = array<i32>} : memref<16x256xi32, #tpu.memory_space<vmem>>, vector<1x256xi32>,
    %broadcast_in_dim3A_176 = vector.shape_cast %reduce_min3A_165 : vector<256xf32> to vector<256x1xf32>
    %eq3A_177 = vector.broadcast %broadcast_in_dim3A_176 : vector<256x1xf32> to vector<256x10240xf32>
    %eq3A_178 = arith.cmpf oeq, %get3A_163, %eq3A_177 : vector<256x10240xf32>
    %jit3A_179 = arith.constant 0x7F800000 : f32
    %broadcast_in_dim3A_180 = vector.broadcast %jit3A_179 : f32 to vector<256x10240xf32>
    %select_n3A_181 = arith.select %eq3A_178, %broadcast_in_dim3A_180, %get3A_163 : vector<256x10240xi1>, vector<256x10240xf32>
    %swap3A_182 = arith.constant 0 : index
    %swap3A_183 = arith.constant 0 : index
    %swap3A_184 = vector.load %arg4[%swap3A_182, %swap3A_183] : memref<256x10240xf32, #tpu.memory_space<vmem>>, vector<256x10240xf32>
    tpu.vector_store %arg4[%swap3A_182, %swap3A_183], %select_n3A_181 {strides = array<i32>} : memref<256x10240xf32, #tpu.memory_space<vmem>>, vector<256x10240xf32>,
    %get3A_185 = arith.constant 0 : index
    %get3A_186 = arith.constant 0 : index
    %get3A_187 = vector.load %arg4[%get3A_185, %get3A_186] : memref<256x10240xf32, #tpu.memory_space<vmem>>, vector<256x10240xf32>
    %reduce_min3A_188 = arith.constant dense<0x7F800000> : vector<256xf32>
    %reduce_min3A_189 = vector.multi_reduction <minimumf>, %get3A_187, %reduce_min3A_188 [1] : vector<256x10240xf32> to vector<256xf32>
    %bitcast_convert_type3A_190 = tpu.bitcast %reduce_min3A_189 : vector<256xf32> -> vector<256xi32>
    %and3A_191 = arith.constant 16383 : i32
    %and3A_192 = vector.broadcast %and3A_191 : i32 to vector<256xi32>
    %and3A_193 = arith.andi %bitcast_convert_type3A_190, %and3A_192 : vector<256xi32>
    %select_n3A_194 = arith.select %lt3A_28, %and3A_193, %broadcast_in_dim3A_30 : vector<256xi1>, vector<256xi32>
    %swap3A_195 = arith.constant 7 : index
    %swap3A_196 = arith.constant 0 : index
    %swap3A_197 = vector.load %arg3[%swap3A_195, %swap3A_196] : memref<16x256xi32, #tpu.memory_space<vmem>>, vector<1x256xi32>
    %swap3A_198 = vector.shape_cast %swap3A_197 : vector<1x256xi32> to vector<256xi32>
    %swap3A_199 = vector.shape_cast %select_n3A_194 : vector<256xi32> to vector<1x256xi32>
    tpu.vector_store %arg3[%swap3A_195, %swap3A_196], %swap3A_199 {strides = array<i32>} : memref<16x256xi32, #tpu.memory_space<vmem>>, vector<1x256xi32>,
    %broadcast_in_dim3A_200 = vector.shape_cast %reduce_min3A_189 : vector<256xf32> to vector<256x1xf32>
    %eq3A_201 = vector.broadcast %broadcast_in_dim3A_200 : vector<256x1xf32> to vector<256x10240xf32>
    %eq3A_202 = arith.cmpf oeq, %get3A_187, %eq3A_201 : vector<256x10240xf32>
    %jit3A_203 = arith.constant 0x7F800000 : f32
    %broadcast_in_dim3A_204 = vector.broadcast %jit3A_203 : f32 to vector<256x10240xf32>
    %select_n3A_205 = arith.select %eq3A_202, %broadcast_in_dim3A_204, %get3A_187 : vector<256x10240xi1>, vector<256x10240xf32>
    %swap3A_206 = arith.constant 0 : index
    %swap3A_207 = arith.constant 0 : index
    %swap3A_208 = vector.load %arg4[%swap3A_206, %swap3A_207] : memref<256x10240xf32, #tpu.memory_space<vmem>>, vector<256x10240xf32>
    tpu.vector_store %arg4[%swap3A_206, %swap3A_207], %select_n3A_205 {strides = array<i32>} : memref<256x10240xf32, #tpu.memory_space<vmem>>, vector<256x10240xf32>,
    %get3A_209 = arith.constant 0 : index
    %get3A_210 = arith.constant 0 : index
    %get3A_211 = vector.load %arg4[%get3A_209, %get3A_210] : memref<256x10240xf32, #tpu.memory_space<vmem>>, vector<256x10240xf32>
    %reduce_min3A_212 = arith.constant dense<0x7F800000> : vector<256xf32>
    %reduce_min3A_213 = vector.multi_reduction <minimumf>, %get3A_211, %reduce_min3A_212 [1] : vector<256x10240xf32> to vector<256xf32>
    %bitcast_convert_type3A_214 = tpu.bitcast %reduce_min3A_213 : vector<256xf32> -> vector<256xi32>
    %and3A_215 = arith.constant 16383 : i32
    %and3A_216 = vector.broadcast %and3A_215 : i32 to vector<256xi32>
    %and3A_217 = arith.andi %bitcast_convert_type3A_214, %and3A_216 : vector<256xi32>
    %select_n3A_218 = arith.select %lt3A_28, %and3A_217, %broadcast_in_dim3A_30 : vector<256xi1>, vector<256xi32>
    %swap3A_219 = arith.constant 8 : index
    %swap3A_220 = arith.constant 0 : index
    %swap3A_221 = vector.load %arg3[%swap3A_219, %swap3A_220] : memref<16x256xi32, #tpu.memory_space<vmem>>, vector<1x256xi32>
    %swap3A_222 = vector.shape_cast %swap3A_221 : vector<1x256xi32> to vector<256xi32>
    %swap3A_223 = vector.shape_cast %select_n3A_218 : vector<256xi32> to vector<1x256xi32>
    tpu.vector_store %arg3[%swap3A_219, %swap3A_220], %swap3A_223 {strides = array<i32>} : memref<16x256xi32, #tpu.memory_space<vmem>>, vector<1x256xi32>,
    %broadcast_in_dim3A_224 = vector.shape_cast %reduce_min3A_213 : vector<256xf32> to vector<256x1xf32>
    %eq3A_225 = vector.broadcast %broadcast_in_dim3A_224 : vector<256x1xf32> to vector<256x10240xf32>
    %eq3A_226 = arith.cmpf oeq, %get3A_211, %eq3A_225 : vector<256x10240xf32>
    %jit3A_227 = arith.constant 0x7F800000 : f32
    %broadcast_in_dim3A_228 = vector.broadcast %jit3A_227 : f32 to vector<256x10240xf32>
    %select_n3A_229 = arith.select %eq3A_226, %broadcast_in_dim3A_228, %get3A_211 : vector<256x10240xi1>, vector<256x10240xf32>
    %swap3A_230 = arith.constant 0 : index
    %swap3A_231 = arith.constant 0 : index
    %swap3A_232 = vector.load %arg4[%swap3A_230, %swap3A_231] : memref<256x10240xf32, #tpu.memory_space<vmem>>, vector<256x10240xf32>
    tpu.vector_store %arg4[%swap3A_230, %swap3A_231], %select_n3A_229 {strides = array<i32>} : memref<256x10240xf32, #tpu.memory_space<vmem>>, vector<256x10240xf32>,
    %get3A_233 = arith.constant 0 : index
    %get3A_234 = arith.constant 0 : index
    %get3A_235 = vector.load %arg4[%get3A_233, %get3A_234] : memref<256x10240xf32, #tpu.memory_space<vmem>>, vector<256x10240xf32>
    %reduce_min3A_236 = arith.constant dense<0x7F800000> : vector<256xf32>
    %reduce_min3A_237 = vector.multi_reduction <minimumf>, %get3A_235, %reduce_min3A_236 [1] : vector<256x10240xf32> to vector<256xf32>
    %bitcast_convert_type3A_238 = tpu.bitcast %reduce_min3A_237 : vector<256xf32> -> vector<256xi32>
    %and3A_239 = arith.constant 16383 : i32
    %and3A_240 = vector.broadcast %and3A_239 : i32 to vector<256xi32>
    %and3A_241 = arith.andi %bitcast_convert_type3A_238, %and3A_240 : vector<256xi32>
    %select_n3A_242 = arith.select %lt3A_28, %and3A_241, %broadcast_in_dim3A_30 : vector<256xi1>, vector<256xi32>
    %swap3A_243 = arith.constant 9 : index
    %swap3A_244 = arith.constant 0 : index
    %swap3A_245 = vector.load %arg3[%swap3A_243, %swap3A_244] : memref<16x256xi32, #tpu.memory_space<vmem>>, vector<1x256xi32>
    %swap3A_246 = vector.shape_cast %swap3A_245 : vector<1x256xi32> to vector<256xi32>
    %swap3A_247 = vector.shape_cast %select_n3A_242 : vector<256xi32> to vector<1x256xi32>
    tpu.vector_store %arg3[%swap3A_243, %swap3A_244], %swap3A_247 {strides = array<i32>} : memref<16x256xi32, #tpu.memory_space<vmem>>, vector<1x256xi32>,
    return
  }
  func.func @transform_0(%arg0: i32) -> (i32, i32) {
    %c0_i32 = arith.constant 0 : i32
    %c0_i32_0 = arith.constant 0 : i32
    %c0_i32_1 = arith.constant 0 : i32
    return %c0_i32, %c0_i32_0 : i32, i32
  }
  func.func @transform_1(%arg0: i32) -> (i32, i32) {
    %c0_i32 = arith.constant 0 : i32
    %c0_i32_0 = arith.constant 0 : i32
    return %arg0, %c0_i32 : i32, i32
  }
  func.func @transform_2(%arg0: i32) -> (i32, i32) {
    %c0_i32 = arith.constant 0 : i32
    %c0_i32_0 = arith.constant 0 : i32
    return %c0_i32, %arg0 : i32, i32
  }
}

module attributes {stable_mosaic.version = 14 : i64} {
  func.func @_finish_body(%arg0: memref<32x4x10240xf32, #tpu.memory_space<vmem>>, %arg1: memref<3x10240xf32, #tpu.memory_space<vmem>>, %arg2: memref<1x1xf32, #tpu.memory_space<vmem>>) attributes {dimension_semantics = [], scalar_prefetch = 0 : i64, scratch_operands = 0 : i64, tpu.core_type = #tpu.core_type<tc>} {
    %get3A = arith.constant 0 : index
    %get3A_0 = arith.constant 0 : index
    %get3A_1 = arith.constant 0 : index
    %get3A_2 = vector.load %arg0[%get3A, %get3A_0, %get3A_1] : memref<32x4x10240xf32, #tpu.memory_space<vmem>>, vector<1x4x10240xf32>
    %get3A_3 = vector.shape_cast %get3A_2 : vector<1x4x10240xf32> to vector<4x10240xf32>
    %get3A_4 = arith.constant 1 : index
    %get3A_5 = arith.constant 0 : index
    %get3A_6 = arith.constant 0 : index
    %get3A_7 = vector.load %arg0[%get3A_4, %get3A_5, %get3A_6] : memref<32x4x10240xf32, #tpu.memory_space<vmem>>, vector<1x4x10240xf32>
    %get3A_8 = vector.shape_cast %get3A_7 : vector<1x4x10240xf32> to vector<4x10240xf32>
    %add3A = arith.addf %get3A_3, %get3A_8 : vector<4x10240xf32>
    %get3A_9 = arith.constant 2 : index
    %get3A_10 = arith.constant 0 : index
    %get3A_11 = arith.constant 0 : index
    %get3A_12 = vector.load %arg0[%get3A_9, %get3A_10, %get3A_11] : memref<32x4x10240xf32, #tpu.memory_space<vmem>>, vector<1x4x10240xf32>
    %get3A_13 = vector.shape_cast %get3A_12 : vector<1x4x10240xf32> to vector<4x10240xf32>
    %add3A_14 = arith.addf %add3A, %get3A_13 : vector<4x10240xf32>
    %get3A_15 = arith.constant 3 : index
    %get3A_16 = arith.constant 0 : index
    %get3A_17 = arith.constant 0 : index
    %get3A_18 = vector.load %arg0[%get3A_15, %get3A_16, %get3A_17] : memref<32x4x10240xf32, #tpu.memory_space<vmem>>, vector<1x4x10240xf32>
    %get3A_19 = vector.shape_cast %get3A_18 : vector<1x4x10240xf32> to vector<4x10240xf32>
    %add3A_20 = arith.addf %add3A_14, %get3A_19 : vector<4x10240xf32>
    %get3A_21 = arith.constant 4 : index
    %get3A_22 = arith.constant 0 : index
    %get3A_23 = arith.constant 0 : index
    %get3A_24 = vector.load %arg0[%get3A_21, %get3A_22, %get3A_23] : memref<32x4x10240xf32, #tpu.memory_space<vmem>>, vector<1x4x10240xf32>
    %get3A_25 = vector.shape_cast %get3A_24 : vector<1x4x10240xf32> to vector<4x10240xf32>
    %add3A_26 = arith.addf %add3A_20, %get3A_25 : vector<4x10240xf32>
    %get3A_27 = arith.constant 5 : index
    %get3A_28 = arith.constant 0 : index
    %get3A_29 = arith.constant 0 : index
    %get3A_30 = vector.load %arg0[%get3A_27, %get3A_28, %get3A_29] : memref<32x4x10240xf32, #tpu.memory_space<vmem>>, vector<1x4x10240xf32>
    %get3A_31 = vector.shape_cast %get3A_30 : vector<1x4x10240xf32> to vector<4x10240xf32>
    %add3A_32 = arith.addf %add3A_26, %get3A_31 : vector<4x10240xf32>
    %get3A_33 = arith.constant 6 : index
    %get3A_34 = arith.constant 0 : index
    %get3A_35 = arith.constant 0 : index
    %get3A_36 = vector.load %arg0[%get3A_33, %get3A_34, %get3A_35] : memref<32x4x10240xf32, #tpu.memory_space<vmem>>, vector<1x4x10240xf32>
    %get3A_37 = vector.shape_cast %get3A_36 : vector<1x4x10240xf32> to vector<4x10240xf32>
    %add3A_38 = arith.addf %add3A_32, %get3A_37 : vector<4x10240xf32>
    %get3A_39 = arith.constant 7 : index
    %get3A_40 = arith.constant 0 : index
    %get3A_41 = arith.constant 0 : index
    %get3A_42 = vector.load %arg0[%get3A_39, %get3A_40, %get3A_41] : memref<32x4x10240xf32, #tpu.memory_space<vmem>>, vector<1x4x10240xf32>
    %get3A_43 = vector.shape_cast %get3A_42 : vector<1x4x10240xf32> to vector<4x10240xf32>
    %add3A_44 = arith.addf %add3A_38, %get3A_43 : vector<4x10240xf32>
    %get3A_45 = arith.constant 8 : index
    %get3A_46 = arith.constant 0 : index
    %get3A_47 = arith.constant 0 : index
    %get3A_48 = vector.load %arg0[%get3A_45, %get3A_46, %get3A_47] : memref<32x4x10240xf32, #tpu.memory_space<vmem>>, vector<1x4x10240xf32>
    %get3A_49 = vector.shape_cast %get3A_48 : vector<1x4x10240xf32> to vector<4x10240xf32>
    %add3A_50 = arith.addf %add3A_44, %get3A_49 : vector<4x10240xf32>
    %get3A_51 = arith.constant 9 : index
    %get3A_52 = arith.constant 0 : index
    %get3A_53 = arith.constant 0 : index
    %get3A_54 = vector.load %arg0[%get3A_51, %get3A_52, %get3A_53] : memref<32x4x10240xf32, #tpu.memory_space<vmem>>, vector<1x4x10240xf32>
    %get3A_55 = vector.shape_cast %get3A_54 : vector<1x4x10240xf32> to vector<4x10240xf32>
    %add3A_56 = arith.addf %add3A_50, %get3A_55 : vector<4x10240xf32>
    %get3A_57 = arith.constant 10 : index
    %get3A_58 = arith.constant 0 : index
    %get3A_59 = arith.constant 0 : index
    %get3A_60 = vector.load %arg0[%get3A_57, %get3A_58, %get3A_59] : memref<32x4x10240xf32, #tpu.memory_space<vmem>>, vector<1x4x10240xf32>
    %get3A_61 = vector.shape_cast %get3A_60 : vector<1x4x10240xf32> to vector<4x10240xf32>
    %add3A_62 = arith.addf %add3A_56, %get3A_61 : vector<4x10240xf32>
    %get3A_63 = arith.constant 11 : index
    %get3A_64 = arith.constant 0 : index
    %get3A_65 = arith.constant 0 : index
    %get3A_66 = vector.load %arg0[%get3A_63, %get3A_64, %get3A_65] : memref<32x4x10240xf32, #tpu.memory_space<vmem>>, vector<1x4x10240xf32>
    %get3A_67 = vector.shape_cast %get3A_66 : vector<1x4x10240xf32> to vector<4x10240xf32>
    %add3A_68 = arith.addf %add3A_62, %get3A_67 : vector<4x10240xf32>
    %get3A_69 = arith.constant 12 : index
    %get3A_70 = arith.constant 0 : index
    %get3A_71 = arith.constant 0 : index
    %get3A_72 = vector.load %arg0[%get3A_69, %get3A_70, %get3A_71] : memref<32x4x10240xf32, #tpu.memory_space<vmem>>, vector<1x4x10240xf32>
    %get3A_73 = vector.shape_cast %get3A_72 : vector<1x4x10240xf32> to vector<4x10240xf32>
    %add3A_74 = arith.addf %add3A_68, %get3A_73 : vector<4x10240xf32>
    %get3A_75 = arith.constant 13 : index
    %get3A_76 = arith.constant 0 : index
    %get3A_77 = arith.constant 0 : index
    %get3A_78 = vector.load %arg0[%get3A_75, %get3A_76, %get3A_77] : memref<32x4x10240xf32, #tpu.memory_space<vmem>>, vector<1x4x10240xf32>
    %get3A_79 = vector.shape_cast %get3A_78 : vector<1x4x10240xf32> to vector<4x10240xf32>
    %add3A_80 = arith.addf %add3A_74, %get3A_79 : vector<4x10240xf32>
    %get3A_81 = arith.constant 14 : index
    %get3A_82 = arith.constant 0 : index
    %get3A_83 = arith.constant 0 : index
    %get3A_84 = vector.load %arg0[%get3A_81, %get3A_82, %get3A_83] : memref<32x4x10240xf32, #tpu.memory_space<vmem>>, vector<1x4x10240xf32>
    %get3A_85 = vector.shape_cast %get3A_84 : vector<1x4x10240xf32> to vector<4x10240xf32>
    %add3A_86 = arith.addf %add3A_80, %get3A_85 : vector<4x10240xf32>
    %get3A_87 = arith.constant 15 : index
    %get3A_88 = arith.constant 0 : index
    %get3A_89 = arith.constant 0 : index
    %get3A_90 = vector.load %arg0[%get3A_87, %get3A_88, %get3A_89] : memref<32x4x10240xf32, #tpu.memory_space<vmem>>, vector<1x4x10240xf32>
    %get3A_91 = vector.shape_cast %get3A_90 : vector<1x4x10240xf32> to vector<4x10240xf32>
    %add3A_92 = arith.addf %add3A_86, %get3A_91 : vector<4x10240xf32>
    %get3A_93 = arith.constant 16 : index
    %get3A_94 = arith.constant 0 : index
    %get3A_95 = arith.constant 0 : index
    %get3A_96 = vector.load %arg0[%get3A_93, %get3A_94, %get3A_95] : memref<32x4x10240xf32, #tpu.memory_space<vmem>>, vector<1x4x10240xf32>
    %get3A_97 = vector.shape_cast %get3A_96 : vector<1x4x10240xf32> to vector<4x10240xf32>
    %add3A_98 = arith.addf %add3A_92, %get3A_97 : vector<4x10240xf32>
    %get3A_99 = arith.constant 17 : index
    %get3A_100 = arith.constant 0 : index
    %get3A_101 = arith.constant 0 : index
    %get3A_102 = vector.load %arg0[%get3A_99, %get3A_100, %get3A_101] : memref<32x4x10240xf32, #tpu.memory_space<vmem>>, vector<1x4x10240xf32>
    %get3A_103 = vector.shape_cast %get3A_102 : vector<1x4x10240xf32> to vector<4x10240xf32>
    %add3A_104 = arith.addf %add3A_98, %get3A_103 : vector<4x10240xf32>
    %get3A_105 = arith.constant 18 : index
    %get3A_106 = arith.constant 0 : index
    %get3A_107 = arith.constant 0 : index
    %get3A_108 = vector.load %arg0[%get3A_105, %get3A_106, %get3A_107] : memref<32x4x10240xf32, #tpu.memory_space<vmem>>, vector<1x4x10240xf32>
    %get3A_109 = vector.shape_cast %get3A_108 : vector<1x4x10240xf32> to vector<4x10240xf32>
    %add3A_110 = arith.addf %add3A_104, %get3A_109 : vector<4x10240xf32>
    %get3A_111 = arith.constant 19 : index
    %get3A_112 = arith.constant 0 : index
    %get3A_113 = arith.constant 0 : index
    %get3A_114 = vector.load %arg0[%get3A_111, %get3A_112, %get3A_113] : memref<32x4x10240xf32, #tpu.memory_space<vmem>>, vector<1x4x10240xf32>
    %get3A_115 = vector.shape_cast %get3A_114 : vector<1x4x10240xf32> to vector<4x10240xf32>
    %add3A_116 = arith.addf %add3A_110, %get3A_115 : vector<4x10240xf32>
    %get3A_117 = arith.constant 20 : index
    %get3A_118 = arith.constant 0 : index
    %get3A_119 = arith.constant 0 : index
    %get3A_120 = vector.load %arg0[%get3A_117, %get3A_118, %get3A_119] : memref<32x4x10240xf32, #tpu.memory_space<vmem>>, vector<1x4x10240xf32>
    %get3A_121 = vector.shape_cast %get3A_120 : vector<1x4x10240xf32> to vector<4x10240xf32>
    %add3A_122 = arith.addf %add3A_116, %get3A_121 : vector<4x10240xf32>
    %get3A_123 = arith.constant 21 : index
    %get3A_124 = arith.constant 0 : index
    %get3A_125 = arith.constant 0 : index
    %get3A_126 = vector.load %arg0[%get3A_123, %get3A_124, %get3A_125] : memref<32x4x10240xf32, #tpu.memory_space<vmem>>, vector<1x4x10240xf32>
    %get3A_127 = vector.shape_cast %get3A_126 : vector<1x4x10240xf32> to vector<4x10240xf32>
    %add3A_128 = arith.addf %add3A_122, %get3A_127 : vector<4x10240xf32>
    %get3A_129 = arith.constant 22 : index
    %get3A_130 = arith.constant 0 : index
    %get3A_131 = arith.constant 0 : index
    %get3A_132 = vector.load %arg0[%get3A_129, %get3A_130, %get3A_131] : memref<32x4x10240xf32, #tpu.memory_space<vmem>>, vector<1x4x10240xf32>
    %get3A_133 = vector.shape_cast %get3A_132 : vector<1x4x10240xf32> to vector<4x10240xf32>
    %add3A_134 = arith.addf %add3A_128, %get3A_133 : vector<4x10240xf32>
    %get3A_135 = arith.constant 23 : index
    %get3A_136 = arith.constant 0 : index
    %get3A_137 = arith.constant 0 : index
    %get3A_138 = vector.load %arg0[%get3A_135, %get3A_136, %get3A_137] : memref<32x4x10240xf32, #tpu.memory_space<vmem>>, vector<1x4x10240xf32>
    %get3A_139 = vector.shape_cast %get3A_138 : vector<1x4x10240xf32> to vector<4x10240xf32>
    %add3A_140 = arith.addf %add3A_134, %get3A_139 : vector<4x10240xf32>
    %get3A_141 = arith.constant 24 : index
    %get3A_142 = arith.constant 0 : index
    %get3A_143 = arith.constant 0 : index
    %get3A_144 = vector.load %arg0[%get3A_141, %get3A_142, %get3A_143] : memref<32x4x10240xf32, #tpu.memory_space<vmem>>, vector<1x4x10240xf32>
    %get3A_145 = vector.shape_cast %get3A_144 : vector<1x4x10240xf32> to vector<4x10240xf32>
    %add3A_146 = arith.addf %add3A_140, %get3A_145 : vector<4x10240xf32>
    %get3A_147 = arith.constant 25 : index
    %get3A_148 = arith.constant 0 : index
    %get3A_149 = arith.constant 0 : index
    %get3A_150 = vector.load %arg0[%get3A_147, %get3A_148, %get3A_149] : memref<32x4x10240xf32, #tpu.memory_space<vmem>>, vector<1x4x10240xf32>
    %get3A_151 = vector.shape_cast %get3A_150 : vector<1x4x10240xf32> to vector<4x10240xf32>
    %add3A_152 = arith.addf %add3A_146, %get3A_151 : vector<4x10240xf32>
    %get3A_153 = arith.constant 26 : index
    %get3A_154 = arith.constant 0 : index
    %get3A_155 = arith.constant 0 : index
    %get3A_156 = vector.load %arg0[%get3A_153, %get3A_154, %get3A_155] : memref<32x4x10240xf32, #tpu.memory_space<vmem>>, vector<1x4x10240xf32>
    %get3A_157 = vector.shape_cast %get3A_156 : vector<1x4x10240xf32> to vector<4x10240xf32>
    %add3A_158 = arith.addf %add3A_152, %get3A_157 : vector<4x10240xf32>
    %get3A_159 = arith.constant 27 : index
    %get3A_160 = arith.constant 0 : index
    %get3A_161 = arith.constant 0 : index
    %get3A_162 = vector.load %arg0[%get3A_159, %get3A_160, %get3A_161] : memref<32x4x10240xf32, #tpu.memory_space<vmem>>, vector<1x4x10240xf32>
    %get3A_163 = vector.shape_cast %get3A_162 : vector<1x4x10240xf32> to vector<4x10240xf32>
    %add3A_164 = arith.addf %add3A_158, %get3A_163 : vector<4x10240xf32>
    %get3A_165 = arith.constant 28 : index
    %get3A_166 = arith.constant 0 : index
    %get3A_167 = arith.constant 0 : index
    %get3A_168 = vector.load %arg0[%get3A_165, %get3A_166, %get3A_167] : memref<32x4x10240xf32, #tpu.memory_space<vmem>>, vector<1x4x10240xf32>
    %get3A_169 = vector.shape_cast %get3A_168 : vector<1x4x10240xf32> to vector<4x10240xf32>
    %add3A_170 = arith.addf %add3A_164, %get3A_169 : vector<4x10240xf32>
    %get3A_171 = arith.constant 29 : index
    %get3A_172 = arith.constant 0 : index
    %get3A_173 = arith.constant 0 : index
    %get3A_174 = vector.load %arg0[%get3A_171, %get3A_172, %get3A_173] : memref<32x4x10240xf32, #tpu.memory_space<vmem>>, vector<1x4x10240xf32>
    %get3A_175 = vector.shape_cast %get3A_174 : vector<1x4x10240xf32> to vector<4x10240xf32>
    %add3A_176 = arith.addf %add3A_170, %get3A_175 : vector<4x10240xf32>
    %get3A_177 = arith.constant 30 : index
    %get3A_178 = arith.constant 0 : index
    %get3A_179 = arith.constant 0 : index
    %get3A_180 = vector.load %arg0[%get3A_177, %get3A_178, %get3A_179] : memref<32x4x10240xf32, #tpu.memory_space<vmem>>, vector<1x4x10240xf32>
    %get3A_181 = vector.shape_cast %get3A_180 : vector<1x4x10240xf32> to vector<4x10240xf32>
    %add3A_182 = arith.addf %add3A_176, %get3A_181 : vector<4x10240xf32>
    %get3A_183 = arith.constant 31 : index
    %get3A_184 = arith.constant 0 : index
    %get3A_185 = arith.constant 0 : index
    %get3A_186 = vector.load %arg0[%get3A_183, %get3A_184, %get3A_185] : memref<32x4x10240xf32, #tpu.memory_space<vmem>>, vector<1x4x10240xf32>
    %get3A_187 = vector.shape_cast %get3A_186 : vector<1x4x10240xf32> to vector<4x10240xf32>
    %add3A_188 = arith.addf %add3A_182, %get3A_187 : vector<4x10240xf32>
    %slice3A = vector.extract_strided_slice %add3A_188 {offsets = [3, 0], sizes = [1, 10240], strides = [1, 1]} : vector<4x10240xf32> to vector<1x10240xf32>
    %add3A_189 = arith.constant 9.000000e+00 : f32
    %add3A_190 = vector.broadcast %add3A_189 : f32 to vector<1x10240xf32>
    %add3A_191 = arith.addf %slice3A, %add3A_190 : vector<1x10240xf32>
    %slice3A_192 = vector.extract_strided_slice %add3A_188 {offsets = [0, 0], sizes = [1, 10240], strides = [1, 1]} : vector<4x10240xf32> to vector<1x10240xf32>
    %div3A = arith.divf %slice3A_192, %add3A_191 : vector<1x10240xf32>
    %get3A_193 = arith.constant 0 : index
    %get3A_194 = arith.constant 0 : index
    %get3A_195 = vector.load %arg1[%get3A_193, %get3A_194] : memref<3x10240xf32, #tpu.memory_space<vmem>>, vector<1x10240xf32>
    %sub3A = arith.subf %div3A, %get3A_195 : vector<1x10240xf32>
    %slice3A_196 = vector.extract_strided_slice %add3A_188 {offsets = [1, 0], sizes = [1, 10240], strides = [1, 1]} : vector<4x10240xf32> to vector<1x10240xf32>
    %div3A_197 = arith.divf %slice3A_196, %add3A_191 : vector<1x10240xf32>
    %get3A_198 = arith.constant 1 : index
    %get3A_199 = arith.constant 0 : index
    %get3A_200 = vector.load %arg1[%get3A_198, %get3A_199] : memref<3x10240xf32, #tpu.memory_space<vmem>>, vector<1x10240xf32>
    %sub3A_201 = arith.subf %div3A_197, %get3A_200 : vector<1x10240xf32>
    %slice3A_202 = vector.extract_strided_slice %add3A_188 {offsets = [2, 0], sizes = [1, 10240], strides = [1, 1]} : vector<4x10240xf32> to vector<1x10240xf32>
    %div3A_203 = arith.divf %slice3A_202, %add3A_191 : vector<1x10240xf32>
    %get3A_204 = arith.constant 2 : index
    %get3A_205 = arith.constant 0 : index
    %get3A_206 = vector.load %arg1[%get3A_204, %get3A_205] : memref<3x10240xf32, #tpu.memory_space<vmem>>, vector<1x10240xf32>
    %sub3A_207 = arith.subf %div3A_203, %get3A_206 : vector<1x10240xf32>
    %mul3A = arith.mulf %sub3A, %sub3A : vector<1x10240xf32>
    %mul3A_208 = arith.mulf %sub3A_201, %sub3A_201 : vector<1x10240xf32>
    %add3A_209 = arith.addf %mul3A, %mul3A_208 : vector<1x10240xf32>
    %mul3A_210 = arith.mulf %sub3A_207, %sub3A_207 : vector<1x10240xf32>
    %add3A_211 = arith.addf %add3A_209, %mul3A_210 : vector<1x10240xf32>
    %sqrt3A = math.sqrt %add3A_211 : vector<1x10240xf32>
    %iota3A = tpu.iota {dimensions = array<i32: 1>} : vector<1x10240xi32>
    %lt3A = arith.constant 10000 : i32
    %lt3A_212 = vector.broadcast %lt3A : i32 to vector<1x10240xi32>
    %lt3A_213 = arith.cmpi slt, %iota3A, %lt3A_212 : vector<1x10240xi32>
    %jit3A = arith.constant 0.000000e+00 : f32
    %broadcast_in_dim3A = vector.broadcast %jit3A : f32 to vector<1x10240xf32>
    %select_n3A = arith.select %lt3A_213, %sqrt3A, %broadcast_in_dim3A : vector<1x10240xi1>, vector<1x10240xf32>
    %reduce_sum3A = vector.shape_cast %select_n3A : vector<1x10240xf32> to vector<1x1x10240xf32>
    %reduce_sum3A_214 = arith.constant dense<0.000000e+00> : vector<1xf32>
    %reduce_sum3A_215 = vector.multi_reduction <add>, %reduce_sum3A, %reduce_sum3A_214 [1, 2] : vector<1x1x10240xf32> to vector<1xf32>
    %reduce_sum3A_216 = vector.shape_cast %reduce_sum3A_215 : vector<1xf32> to vector<1x1x1xf32>
    %reduce_sum3A_217 = vector.extract %reduce_sum3A_216[0, 0, 0] : f32 from vector<1x1x1xf32>
    %div3A_218 = arith.constant 1.000000e+04 : f32
    %div3A_219 = arith.divf %reduce_sum3A_217, %div3A_218 : f32
    %broadcast_in_dim3A_220 = vector.broadcast %div3A_219 : f32 to vector<1x1xf32>
    %swap3A = arith.constant 0 : index
    %swap3A_221 = arith.constant 0 : index
    %swap3A_222 = vector.load %arg2[%swap3A, %swap3A_221] : memref<1x1xf32, #tpu.memory_space<vmem>>, vector<1x1xf32>
    tpu.vector_store %arg2[%swap3A, %swap3A_221], %broadcast_in_dim3A_220 {strides = array<i32>} : memref<1x1xf32, #tpu.memory_space<vmem>>, vector<1x1xf32>,
    return
  }
}

</mosaic_0001>

<sc_bundles>
// kernel: kernel.5.cloned.1.call-start
scs
__scs_entry_jumppad:
0x0: {  	(pc) =	sbr.rel $0x88, $3  }
0x1: {  	(tag) =	ssettag $0x0;
	lr =	simm.s32 $0x1  }
0x2: {  	[smem:$0x3FA0] =	sst lr;
	_ =	strace $0xD0000000  }
0x3: {  	_ = 	snop  }
0x4: {  	_ = 	snop  }
0x5: {  	_ = 	snop  }
0x6: {  	_ = 	snop  }
0x7: {  	_ = 	snop  }
__scs_overlays_trampoline_lowered:
0x8: {  	[smem:$0x3FAF] =	sst s0  }
0x9: {  	[smem:$0x3FB0] =	sst s1  }
0xa: {  	[smem:$0x3FB1] =	sst s2  }
0xb: {  	[smem:$0x3FB2] =	sst s3  }
0xc: {  	[smem:$0x3FB3] =	sst s4  }
0xd: {  	[smem:$0x3FB4] =	sst s5  }
0xe: {  	[smem:$0x3FB5] =	sst s6  }
0xf: {  	[smem:$0x3FB6] =	sst s7  }
0x10: {  	[smem:$0x3FB7] =	sst s8  }
0x11: {  	[smem:$0x3FB8] =	sst s9;
	s0 =	simm.s32 @!p0 $0x0  }
0x12: {  	s1 =	sld [smem:$0x3F9E];
	s0 =	simm.s32 @p0 $0x1  }
0x13: {  	[smem:$0x3FB9] =	sst s0;
	s0 =	simm.s32 @!p1 $0x0  }
0x14: {  	s2 =	sld [smem:$0x3F9D];
	s0 =	simm.s32 @p1 $0x1  }
0x15: {  	[smem:$0x3FBA] =	sst s0;
	s0 =	simm.s32 @!p2 $0x0  }
0x16: {  	s3 =	sld [smem:$0x3FDB];
	s0 =	simm.s32 @p2 $0x1  }
0x17: {  	s4 =	simm.s32 $0x1BF5;
	[smem:$0x3FBC] =	sst s0  }
0x18: {  	s0 =	sld [smem:$0x3F9F];
	_ =	swait.ge [sflag:s4], $0x0  }
0x19: {  	s7 =	sld [smem:$0x3FA0]  }
0x1a: {  	s8 =	sadd.s32 $0xFFFFE003, lr  }
0x1b: {  	s9 =	sadd.s32 $0xFFFFFEF7, lr;
	s5 =	simm.s32 $0xFFFFFFFF;
	p2 =	slt.u32 s8, $0xFFFFF086  }
0x1c: {  	p1 =	slt.u32 s9, $0xF7A;
	s5 =	simm.s32 @!p2 $0x0  }
0x1d: {  	s5 =	simm.s32 @p1 $0x1;
	p0 =	seq.s32 s7, s2  }
0x1e: {  	s7 =	smul.u32 @!p0 $0xF7A, s2;
	p2 =	seq.s32 @!p0 s5, $0x0  }
0x1f: {  	s9 =	smul.u32 $0xF7A, s1;
	s8 =	simm.s32 @!p0 $0x1BF5;
	p2 =	por !p2, p0  }
0x20: {  	[sflag:s8] =	ssyncset.s32 @!p0 $0xFFFFF086;
	s6 =	sadd.s32 @!p0 s3, s7;
	s7 =	simm.s32 @!p0 $0x108  }
0x21: {  	s3 =	sadd.s32 s3, s9;
	s6 =	sadd.s32 @!p0 $0x88, s6;
	s7 =	simm.s32 @p2 $0x1082  }
0x22: {  	[simem:s7], [sflag:s8] =	dma.local @!p0 [hbm:s6], $0xF7A  }
0x23: {  	s9 =	sor.u32 $0xD0000000, s2;
	s6 =	simm.s32 $0x108;
	_ =	swait.ge @!p0 [sflag:s8], $0x0  }
0x24: {  	s3 =	sadd.s32 $0x88, s3;
	s6 =	simm.s32 @!p1 $0x1082;
	[sflag:s4] =	ssyncset.s32 $0xFFFFF086  }
0x25: {  	[simem:s6], [sflag:s4] =	dma.local [hbm:s3], $0xF7A  }
0x26: {  	[smem:$0x3FA0] =	sst s1;
	(tag) =	ssettag s2;
	_ =	strace s9  }
0x27: {  	s1 =	sld [smem:$0x3FB0]  }
0x28: {  	s2 =	sld [smem:$0x3FB1]  }
0x29: {  	s4 =	sld [smem:$0x3FB3]  }
0x2a: {  	p0 =	seq.s32 s5, $0x0;
	s5 =	sld [smem:$0x3FB4]  }
0x2b: {  	s6 =	sld [smem:$0x3FB5]  }
0x2c: {  	s7 =	sld [smem:$0x3FB6]  }
0x2d: {  	s3 =	simm.s32 $0x108;
	s8 =	sld [smem:$0x3FB7]  }
0x2e: {  	s3 =	simm.s32 @!p0 $0x1082;
	s9 =	sld [smem:$0x3FB8]  }
0x2f: {  	lr =	sadd.s32 s0, s3;
	s0 =	sld [smem:$0x3FAF]  }
0x30: {  	s3 =	sld [smem:$0x3FB2]  }
0x31: {  	[smem:$0x3FBB] =	sst s10  }
0x32: {  	s10 =	sld [smem:$0x3FB9];
	_ =	sdelay $0x3  }
0x33: {  	p0 =	seq.s32 s10, $0x1;
	s10 =	sld [smem:$0x3FBB];
	_ =	sdelay $0x3  }
0x34: {  	[smem:$0x3FBB] =	sst s10  }
0x35: {  	s10 =	sld [smem:$0x3FBA];
	_ =	sdelay $0x3  }
0x36: {  	p1 =	seq.s32 s10, $0x1;
	s10 =	sld [smem:$0x3FBB];
	_ =	sdelay $0x3  }
0x37: {  	[smem:$0x3FBB] =	sst s10  }
0x38: {  	s10 =	sld [smem:$0x3FBC]  }
0x39: {  	_ = 	snop;
	(pc) =	sbr.ind lr, $3  }
0x3a: {  	_ = 	snop  }
0x3b: {  	_ = 	snop  }
0x3c: {  	p2 =	seq.s32 s10, $0x1;
	s10 =	sld [smem:$0x3FBB]  }
0x3d: {  	_ =	shalt  }
0x3e: {  	_ =	shalt  }
0x3f: {  	_ =	shalt  }
0x40: {  	_ =	shalt  }
0x41: {  	_ =	shalt  }
0x42: {  	_ =	shalt  }
0x43: {  	_ =	shalt  }
0x44: {  	_ =	shalt  }
0x45: {  	_ =	shalt  }
0x46: {  	_ =	shalt  }
0x47: {  	_ =	shalt  }
0x48: {  	_ =	shalt  }
0x49: {  	_ =	shalt  }
0x4a: {  	_ =	shalt  }
0x4b: {  	_ =	shalt  }
0x4c: {  	_ =	shalt  }
0x4d: {  	_ =	shalt  }
0x4e: {  	_ =	shalt  }
0x4f: {  	_ =	shalt  }
0x50: {  	_ =	shalt  }
0x51: {  	_ =	shalt  }
0x52: {  	_ =	shalt  }
0x53: {  	_ =	shalt  }
0x54: {  	_ =	shalt  }
0x55: {  	_ =	shalt  }
0x56: {  	_ =	shalt  }
0x57: {  	_ =	shalt  }
0x58: {  	_ =	shalt  }
0x59: {  	_ =	shalt  }
0x5a: {  	_ =	shalt  }
0x5b: {  	_ =	shalt  }
0x5c: {  	_ =	shalt  }
0x5d: {  	_ =	shalt  }
0x5e: {  	_ =	shalt  }
0x5f: {  	_ =	shalt  }
0x60: {  	_ =	shalt  }
0x61: {  	_ =	shalt  }
0x62: {  	_ =	shalt  }
0x63: {  	_ =	shalt  }
0x64: {  	_ =	shalt  }
0x65: {  	_ =	shalt  }
0x66: {  	_ =	shalt  }
0x67: {  	_ =	shalt  }
0x68: {  	_ =	shalt  }
0x69: {  	_ =	shalt  }
0x6a: {  	_ =	shalt  }
0x6b: {  	_ =	shalt  }
0x6c: {  	_ =	shalt  }
0x6d: {  	_ =	shalt  }
0x6e: {  	_ =	shalt  }
0x6f: {  	_ =	shalt  }
0x70: {  	_ =	shalt  }
0x71: {  	_ =	shalt  }
0x72: {  	_ =	shalt  }
0x73: {  	_ =	shalt  }
0x74: {  	_ =	shalt  }
0x75: {  	_ =	shalt  }
0x76: {  	_ =	shalt  }
0x77: {  	_ =	shalt  }
0x78: {  	_ =	shalt  }
0x79: {  	_ =	shalt  }
0x7a: {  	_ =	shalt  }
0x7b: {  	_ =	shalt  }
0x7c: {  	_ =	shalt  }
0x7d: {  	_ =	shalt  }
0x7e: {  	_ =	shalt  }
0x7f: {  	_ =	shalt  }
0x80: {  	_ =	shalt  }
0x81: {  	_ =	shalt  }
0x82: {  	_ =	shalt  }
0x83: {  	_ =	shalt  }
0x84: {  	_ =	shalt  }
0x85: {  	_ =	shalt  }
0x86: {  	_ =	shalt  }
0x87: {  	_ =	shalt  }
.Lfunc_end0:
.L_simem_size_0:
called_computation_lowered:
.L_overlay_start_0:
0x88: {  	s2 =	sld [smem:$0x3FD9]  }
0x89: {  	s3 =	sld [smem:$0x3FFE];
	_ =	sdelay $0x1  }
0x8a: {  	s1 =	srdreg.scid  }
0x8b: {  	s0 =	sand.u32 $0x1, s1  }
0x8c: {  	s16 =	sshll.u32 s0, $0xA;
	s2 =	sadd.s32 s3, s2  }
0x8d: {  	s2 =	sadd.s32 s2, s16  }
0x8e: {  	[smem:$0x3FC7] =	sst s2  }
0x8f: {  	_ = 	snop  }
0x90: {  	(tm) =	ssettm $0x1  }
0x91: {  	s17 =	sld [smem:$0x3FFB];
	_ =	sdelay $0x3  }
0x92: {  	_ =	strace s17  }
0x93: {  	s2 =	sld [smem:$0x3FFC];
	_ =	sdelay $0x3  }
0x94: {  	_ =	strace s2  }
0x95: {  	s2 =	sld [smem:$0x3FFD];
	_ =	sdelay $0x3  }
0x96: {  	_ =	strace s2  }
0x97: {  	_ =	strace $0x8FFFFFFF  }
0x98: {  	s18 =	sld [smem:$0x3FDB];
	_ =	sdelay $0x1  }
0x99: {  	s19 =	simm.s32 $_scs_section_size  }
0x9a: {  	s4 =	simm.s32 $_size__tile_overlayer_lowered;
	s5 =	simm.s32 $_tile_overlayer_lowered  }
0x9b: {  	s22 =	simm.s32 $0x1BFF;
	s21 =	sshll.u32 s5, $0x1;
	s2 =	sadd.s32 s19, s18  }
0x9c: {  	s6 =	simm.s32 $0x0;
	s20 =	sshll.u32 s4, $0x1;
	s4 =	sadd.s32 s21, s2  }
0x9d: {  	[timem:s6], [sflag:s22] =	dma.local [hbm:s4], s20  }
0x9e: {  	_ =	swait.ge [sflag:s22], s20  }
0x9f: {  	s3 =	ssub.s32 $0x0, s20;
	[sflag:s22] =	ssyncset.done $0x0  }
0xa0: {  	[sflag:s22] =	ssyncadd.s32 s3;
	_ =	sdelay $0x1  }
0xa1: {  	s23 =	simm.s32 $0x1B8B  }
0xa2: {  	_ =	swait.ge [sflag:s23], $0x1  }
0xa3: {  	[sflag:s23] =	ssyncset.done $0x0  }
0xa4: {  	s25 =	simm.s32 $0x1B8E;
	s24 =	sld [smem:$0x3FFE];
	[sflag:s23] =	ssyncadd.s32 $0xFFFFFFFF  }
0xa5: {  	s26 =	simm.s32 $execute0_lowered;
	[smem:$0x3FD2] =	sst s25  }
0xa6: {  	s4 =	sshll.u32 s26, $0x1;
	_ =	strace $0x80000046;
	[dreg:$0x1] =	wrdreg $0xFFFFFFFF  }
0xa7: {  	s28 =	simm.s32 $_size_execute0_lowered;
	s2 =	sadd.s32 s2, s4;
	[dreg:$0x0] =	wrdreg $0x0  }
0xa8: {  	s4 =	sshll.u32 s28, $0x1;
	[dreg:$0x2] =	wrdreg s2  }
0xa9: {  	[dreg:$0x3] =	wrdreg s4  }
0xaa: {  	[dreg:$0x4] =	wrdreg $0xC0  }
0xab: {  	_ =	task [dreg:s6], $0x5FFFF  }
0xac: {  	[dreg:$0x1] =	wrdreg $0xFFFFFFFF  }
0xad: {  	[dreg:$0x0] =	wrdreg $0x60  }
0xae: {  	[dreg:$0x2] =	wrdreg s24  }
0xaf: {  	[dreg:$0x3] =	wrdreg $0x9  }
0xb0: {  	_ =	task.clear_ibuf [dreg:s6], $0x4FFFF;
	_ =	strace $0x90000046  }
0xb1: {  	s29 =	simm.s32 $0x9;
	_ =	strace $0x80000048  }
0xb2: {  	_ =	swait.ge [sflag:s29], $0x1  }
0xb3: {  	[sflag:s29] =	ssyncadd.s32 $0xFFFFFFFF  }
0xb4: {  	_ =	strace $0x90000048  }
0xb5: {  	_ =	sfence  }
0xb6: {  	s30 =	sld [smem:$0x0];
	_ =	sdelay $0x2  }
0xb7: {  	s31 =	sshll.u32 s1, $0xD;
	s1 =	sshrl.u32 s1, $0x2  }
0xb8: {  	s3 =	sand.u32 $0x4000, s31;
	s1 =	sadd.s32 s1, s30  }
0xb9: {  	s0 =	sor.u32 s3, s0;
	s1 =	sshll.u32 s1, $0x11  }
0xba: {  	s0 =	sor.u32 s1, s0  }
0xbb: {  	s0 =	sadd.s32 $0x8F2B, s0  }
0xbc: {  	[sflag:s0] =	ssyncadd.remote.s32 $0x1  }
0xbd: {  	_ =	sfence.sel $0xFFFF  }
0xbe: {  	[dreg:$0x0] =	wrdreg $0xFFFFFFFF;
	(pc) =	sbr.abs _section_cstart, $3  }
0xbf: {  	[dreg:$0x1] =	wrdreg $0xFFFFFFFF  }
0xc0: {  	_ =	task.clear_ibuf [dreg:s6], $0x2FFFF;
	_ =	strace $0x9FFFFFFF  }
0xc1: {  	(tm) =	ssettm $0x7FFFFFFF  }
tec
execute0_lowered:
.L_overlay_start_1:
0x0: {  	(tag) =	ssettag $0x1  }
0x1: {  	s0 =	srdreg.scid;
	s15 =	stileid.u32  }
0x2: {  	s5 =	rddreg [dreg:$0x0];
	s2 =	simm.s32 $0x0;
	s17 =	simm.s32 $0x1  }
0x3: {  	s18 =	simm.s32 $0x2800;
	s19 =	simm.s32 $0x5000;
	s22 =	simm.s32 $0x7800  }
0x4: {  	s23 =	simm.s32 $0xA000;
	s24 =	simm.s32 $0xC800;
	s28 =	simm.s32 $0x0  }
0x5: {  	s0 =	sand.u32 $0x1, s0;
	[smem:$0x7FF] =	sst s2;
	s13 =	smul.u32 $0x500, s15  }
0x6: {  	s26 =	sadd.s32 $0x2E600, s5;
	s29 =	sadd.s32 $0x2EB00, s5;
	s31 =	smul.u32 $0x140, s15  }
0x7: {  	s1 =	sshll.u32 s0, $0x4;
	_ =	strace $0x80000047;
	s11 =	smul.u32 $0x5000, s0  }
0x8: {  	[dreg:$0x2] =	wrdreg s26;
	s14 =	smul.u32 $0x1400, s0;
	s1 =	sor.u32 s15, s1  }
0x9: {  	s25 =	ssub.s32 $0x2, s0;
	[dreg:$0x3] =	wrdreg s29;
	s3 =	smul.u32 $0x300, s1  }
0xa: {  	s26 =	simm.s32 $0x0;
	s8 =	sshrl.u32 s25, $0x1;
	s4 =	smul.u32 $0x1400, s1  }
0xb: {  	s1 =	smul.u32 $0xA000, s1;
	s12 =	ssub.s32 s25, s8;
	s13 =	sadd.s32 s13, s11  }
0xc: {  	s16 =	sadd.s32 s31, s14;
	s25 =	simm.s32 $0xF000;
	s30 =	sshrl.u32 s13, $0x2  }
0xd: {  	s12 =	smax.u32 s12, $0x1;
	s6 =	sadd.s32 s3, s5;
	s7 =	sadd.s32 s4, s5  }
0xe: {  	s1 =	sshrl.u32 s1, $0x3;
	s0 =	sadd.s32 $0x7800, s30;
	s20 =	sadd.s32 $0xA000, s30  }
0xf: {  	s1 =	sadd.s32 s1, s5;
	s5 =	sadd.s32 $0x2F000, s5;
	s6 =	sadd.s32 $0x28600, s6  }
0x10: {  	s7 =	sadd.s32 $0x600, s7;
	s8 =	sadd.s32 $0x2F600, s1;
	s9 =	sadd.s32 $0x2FB00, s1  }
0x11: {  	v0 =	vimm.f32 $0.0e+00;
	v1 =	vimm.f32 $1.000000000e+00;
	s10 =	sadd.s32 $0x30000, s1;
	s11 =	sadd.s32 $0x30500, s1;
	s1 =	sadd.s32 $0xC800, s30  }
.LBB2_1:
0x12: {  	s14 =	simm.s32 $0x40;
	s13 =	simm.s32 $0x0  }
.LBB2_2:
0x13: {  	p0 =	sne.s32 s14, $0x9FC0;
	[tilespmem:s13+$0xF000] =	vst v0;
	s15 =	smov.u32 s14;
	s14 =	sadd.s32 $0x40, s14  }
.Ltmp0:
0x14: {  	[tilespmem:s13+$0xC800] =	vst v0;
	(pc) =	sbr.rel @p0 .LBB2_2-.Ltmp0, $3  }
0x15: {  	[tilespmem:s13+$0x7800] =	vst v0  }
0x16: {  	[tilespmem:s13+$0xA000] =	vst v0;
	_ =	sdelay $0x1  }
0x17: {  	s13 =	sshra.s32 s15, $0x2  }
0x18: {  	[tilespmem:s13+$0xF000] =	vst v0  }
0x19: {  	[tilespmem:s13+$0xC800] =	vst v0  }
0x1a: {  	[tilespmem:s13+$0x7800] =	vst v0  }
0x1b: {  	[tilespmem:s13+$0xA000] =	vst v0;
	s3 =	rddreg [dreg:$0x2]  }
0x1c: {  	[tilespmem:s28], [sflag:$0x1] =	stream.linear.gather [hbm4b:s3+s28], $0x2800, $0x38;
	[tilespmem:$0x1D000] =	vst v63  }
0x1d: {  	_ =	swait.ge [sflag:s17], $0x2800  }
0x1e: {  	[sflag:s17] =	ssyncset.done $0x0  }
0x1f: {  	s4 =	rddreg [dreg:$0x3];
	[sflag:s17] =	ssyncadd.s32 $0xFFFFD800  }
0x20: {  	[tilespmem:s18], [sflag:$0x1] =	stream.linear.gather [hbm4b:s4+s28], $0x2800, $0x38;
	[tilespmem:$0x1D000] =	vst v63  }
0x21: {  	_ =	swait.ge [sflag:s17], $0x2800  }
0x22: {  	[sflag:s17] =	ssyncset.done $0x0  }
0x23: {  	[sflag:s17] =	ssyncadd.s32 $0xFFFFD800  }
0x24: {  	[tilespmem:s19], [sflag:$0x1] =	stream.linear.gather [hbm4b:s5+s28], $0x2800, $0x38;
	[tilespmem:$0x1D000] =	vst v63  }
0x25: {  	_ =	swait.ge [sflag:s17], $0x2800  }
0x26: {  	[sflag:s17] =	ssyncset.done $0x0  }
0x27: {  	s13 =	simm.s32 $0x11800;
	[sflag:s17] =	ssyncadd.s32 $0xFFFFD800  }
0x28: {  	[tilespmem:s13], [sflag:$0x1] =	stream.linear.gather [hbm4b:s6+s28], $0x1800, $0x38;
	[tilespmem:$0x1D000] =	vst v63  }
0x29: {  	_ =	swait.ge [sflag:s17], $0x1800  }
0x2a: {  	[sflag:s17] =	ssyncset.done $0x0  }
0x2b: {  	s14 =	simm.s32 $0x13000;
	[sflag:s17] =	ssyncadd.s32 $0xFFFFE800  }
0x2c: {  	[tilespmem:s14], [sflag:$0x1] =	stream.linear.gather [hbm4b:s7+s28], $0xA000, $0x38;
	[tilespmem:$0x1D000] =	vst v63  }
0x2d: {  	_ =	swait.ge [sflag:s17], $0xA000  }
0x2e: {  	s15 =	sand.u32 $0x70, s28;
	s14 =	sand.u32 $0xC00, s28;
	[sflag:s17] =	ssyncset.done $0x0  }
0x2f: {  	s13 =	sor.u32 s15, s14;
	[sflag:s17] =	ssyncadd.s32 $0xFFFF6000  }
0x30: {  	s14 =	sadd.s32 $0x11800, s13;
	v2 =	vld [tilespmem:s13+$0x11800]  }
0x31: {  	v3 =	vld [tilespmem:s14+$0x300]  }
0x32: {  	v4 =	vld [tilespmem:s14+$0x80]  }
0x33: {  	v5 =	vld [tilespmem:s14+$0x280]  }
0x34: {  	v6 =	vld [tilespmem:s14+$0x100]  }
0x35: {  	v7 =	vld [tilespmem:s13+$0x12400]  }
0x36: {  	v8 =	vld [tilespmem:s14+$0x180]  }
0x37: {  	s21 =	sor.u32 s28, s28;
	v9 =	vld [tilespmem:s14+$0x200]  }
0x38: {  	v10 =	vld [tilespmem:s0+$0x0];
	s13 =	sor.u32 $0x380, s21  }
0x39: {  	v19 =	vld [tilespmem:s13+$0x11800]  }
0x3a: {  	v11 =	vld.idx.msk [tilespmem:v3+s19+$0x0], $0xffff  }
0x3b: {  	v12 =	vld.idx.msk [tilespmem:v2+s28+$0x0], $0xffff  }
0x3c: {  	v13 =	vld.idx.msk [tilespmem:v5+s19+$0x0], $0xffff  }
0x3d: {  	v14 =	vld.idx.msk [tilespmem:v4+s28+$0x0], $0xffff  }
0x3e: {  	v15 =	vld.idx.msk [tilespmem:v7+s19+$0x0], $0xffff  }
0x3f: {  	v17 =	vld.idx.msk [tilespmem:v6+s28+$0x0], $0xffff  }
0x40: {  	v16 =	vld.idx.msk [tilespmem:v2+s19+$0x0], $0xffff;
	v12 =	vadd.f32 $0.0e+00, v12  }
0x41: {  	v18 =	vld.idx.msk [tilespmem:v8+s28+$0x0], $0xffff  }
0x42: {  	v2 =	vld.idx.msk [tilespmem:v2+s18+$0x0], $0xffff;
	v12 =	vadd.f32 v14, v12  }
0x43: {  	v56 =	vld.idx.msk [tilespmem:v9+s28+$0x0], $0xffff  }
0x44: {  	v20 =	vld.idx.msk [tilespmem:v4+s18+$0x0], $0xffff;
	v12 =	vadd.f32 v17, v12  }
0x45: {  	v57 =	vld.idx.msk [tilespmem:v5+s28+$0x0], $0xffff  }
0x46: {  	v21 =	vld.idx.msk [tilespmem:v6+s18+$0x0], $0xffff;
	v12 =	vadd.f32 v18, v12  }
0x47: {  	v58 =	vld.idx.msk [tilespmem:v3+s28+$0x0], $0xffff  }
0x48: {  	v22 =	vld.idx.msk [tilespmem:v8+s18+$0x0], $0xffff;
	v2 =	vadd.f32 $0.0e+00, v2;
	v12 =	vadd.f32 v56, v12  }
0x49: {  	v59 =	vld.idx.msk [tilespmem:v19+s28+$0x0], $0xffff  }
0x4a: {  	v23 =	vld.idx.msk [tilespmem:v9+s18+$0x0], $0xffff;
	v2 =	vadd.f32 v20, v2;
	v12 =	vadd.f32 v57, v12  }
0x4b: {  	v60 =	vld.idx.msk [tilespmem:v7+s28+$0x0], $0xffff  }
0x4c: {  	v4 =	vld.idx.msk [tilespmem:v4+s19+$0x0], $0xffff;
	v2 =	vadd.f32 v21, v2;
	v12 =	vadd.f32 v58, v12  }
0x4d: {  	v5 =	vld.idx.msk [tilespmem:v5+s18+$0x0], $0xffff  }
0x4e: {  	v6 =	vld.idx.msk [tilespmem:v6+s19+$0x0], $0xffff;
	v2 =	vadd.f32 v22, v2;
	v12 =	vadd.f32 v59, v12  }
0x4f: {  	v3 =	vld.idx.msk [tilespmem:v3+s18+$0x0], $0xffff;
	v16 =	vadd.f32 $0.0e+00, v16  }
0x50: {  	v8 =	vld.idx.msk [tilespmem:v8+s19+$0x0], $0xffff;
	v2 =	vadd.f32 v23, v2;
	v12 =	vadd.f32 v60, v12  }
0x51: {  	v61 =	vld.idx.msk [tilespmem:v19+s18+$0x0], $0xffff;
	v4 =	vadd.f32 v4, v16  }
0x52: {  	v9 =	vld.idx.msk [tilespmem:v9+s19+$0x0], $0xffff;
	v2 =	vadd.f32 v5, v2;
	v62 =	vadd.f32 v10, v12  }
0x53: {  	v5 =	vld.idx.msk [tilespmem:v7+s18+$0x0], $0xffff  }
0x54: {  	v63 =	vld.idx.msk [tilespmem:v19+s19+$0x0], $0xffff;
	v4 =	vadd.f32 v6, v4;
	v2 =	vadd.f32 v3, v2;
	[tilespmem:s0+$0x0] =	vst v62  }
0x55: {  	v3 =	vld [tilespmem:s20+$0x0]  }
0x56: {  	v4 =	vadd.f32 v8, v4;
	v2 =	vadd.f32 v61, v2;
	_ =	sdelay $0x1  }
0x57: {  	v4 =	vadd.f32 v9, v4;
	v2 =	vadd.f32 v5, v2;
	_ =	sdelay $0x1  }
0x58: {  	v4 =	vadd.f32 v13, v4;
	v2 =	vadd.f32 v3, v2;
	_ =	sdelay $0x1  }
0x59: {  	v4 =	vadd.f32 v11, v4;
	[tilespmem:s20+$0x0] =	vst v2  }
0x5a: {  	v2 =	vld [tilespmem:s1+$0x0]  }
0x5b: {  	v3 =	vadd.f32 v63, v4  }
0x5c: {  	s29 =	simm.s32 $0x10;
	s30 =	sadd.s32 $0x10, s1;
	s31 =	simm.s32 $0x0  }
0x5d: {  	s15 =	smov.u32 s1;
	s14 =	smov.u32 s20;
	s13 =	smov.u32 s0;
	v3 =	vadd.f32 v15, v3  }
.LBB2_4:
0x5e: {  	s31 =	sadd.s32 $0x80, s31;
	s13 =	sadd.s32 $0x10, s13;
	s14 =	sadd.s32 $0x10, s14  }
0x5f: {  	p0 =	sne.s32 s29, $0x130;
	s21 =	smov.u32 s29;
	s29 =	sadd.s32 $0x10, s29;
	v2 =	vadd.f32 v2, v3  }
0x60: {  	s3 =	sand.u32 $0x70, s21;
	s4 =	sand.u32 $0xC00, s31  }
0x61: {  	s3 =	sor.u32 s3, s4;
	[tilespmem:s15+$0x0] =	vst v2;
	s15 =	smov.u32 s30  }
0x62: {  	s4 =	sadd.s32 $0x11800, s3;
	v2 =	vld [tilespmem:s3+$0x11800]  }
0x63: {  	v3 =	vld [tilespmem:s4+$0x300]  }
0x64: {  	v4 =	vld [tilespmem:s4+$0x80]  }
0x65: {  	v5 =	vld [tilespmem:s4+$0x280]  }
0x66: {  	v6 =	vld [tilespmem:s4+$0x100]  }
0x67: {  	v7 =	vld [tilespmem:s3+$0x12400]  }
0x68: {  	v8 =	vld [tilespmem:s4+$0x180]  }
0x69: {  	v9 =	vld [tilespmem:s4+$0x200]  }
0x6a: {  	v10 =	vld [tilespmem:s13+$0x0]  }
0x6b: {  	v11 =	vld.idx.msk [tilespmem:v3+s19+$0x0], $0xffff  }
0x6c: {  	v12 =	vld.idx.msk [tilespmem:v2+s28+$0x0], $0xffff  }
0x6d: {  	v13 =	vld.idx.msk [tilespmem:v5+s19+$0x0], $0xffff  }
0x6e: {  	s3 =	sor.u32 s31, s21;
	v14 =	vld.idx.msk [tilespmem:v4+s28+$0x0], $0xffff  }
0x6f: {  	s3 =	sor.u32 $0x380, s3;
	v15 =	vld.idx.msk [tilespmem:v7+s19+$0x0], $0xffff  }
0x70: {  	v16 =	vld.idx.msk [tilespmem:v2+s19+$0x0], $0xffff  }
0x71: {  	v17 =	vld.idx.msk [tilespmem:v6+s28+$0x0], $0xffff  }
0x72: {  	v18 =	vld.idx.msk [tilespmem:v8+s28+$0x0], $0xffff  }
0x73: {  	v12 =	vadd.f32 $0.0e+00, v12;
	v19 =	vld [tilespmem:s3+$0x11800]  }
0x74: {  	v2 =	vld.idx.msk [tilespmem:v2+s18+$0x0], $0xffff  }
0x75: {  	v12 =	vadd.f32 v14, v12;
	v14 =	vld.idx.msk [tilespmem:v9+s28+$0x0], $0xffff  }
0x76: {  	v16 =	vadd.f32 $0.0e+00, v16;
	v20 =	vld.idx.msk [tilespmem:v4+s18+$0x0], $0xffff  }
0x77: {  	v12 =	vadd.f32 v17, v12;
	v17 =	vld.idx.msk [tilespmem:v5+s28+$0x0], $0xffff  }
0x78: {  	v21 =	vld.idx.msk [tilespmem:v6+s18+$0x0], $0xffff  }
0x79: {  	v12 =	vadd.f32 v18, v12;
	v18 =	vld.idx.msk [tilespmem:v3+s28+$0x0], $0xffff  }
0x7a: {  	v2 =	vadd.f32 $0.0e+00, v2;
	v22 =	vld.idx.msk [tilespmem:v8+s18+$0x0], $0xffff  }
0x7b: {  	v12 =	vadd.f32 v14, v12;
	v14 =	vld.idx.msk [tilespmem:v19+s28+$0x0], $0xffff  }
0x7c: {  	v2 =	vadd.f32 v20, v2;
	v20 =	vld.idx.msk [tilespmem:v9+s18+$0x0], $0xffff  }
0x7d: {  	v12 =	vadd.f32 v17, v12;
	v17 =	vld.idx.msk [tilespmem:v7+s28+$0x0], $0xffff  }
0x7e: {  	v2 =	vadd.f32 v21, v2;
	v5 =	vld.idx.msk [tilespmem:v5+s18+$0x0], $0xffff  }
0x7f: {  	v12 =	vadd.f32 v18, v12;
	v4 =	vld.idx.msk [tilespmem:v4+s19+$0x0], $0xffff  }
0x80: {  	v2 =	vadd.f32 v22, v2;
	v3 =	vld.idx.msk [tilespmem:v3+s18+$0x0], $0xffff  }
0x81: {  	v12 =	vadd.f32 v14, v12;
	v6 =	vld.idx.msk [tilespmem:v6+s19+$0x0], $0xffff  }
0x82: {  	v2 =	vadd.f32 v20, v2;
	v8 =	vld.idx.msk [tilespmem:v8+s19+$0x0], $0xffff  }
0x83: {  	v12 =	vadd.f32 v17, v12;
	v14 =	vld.idx.msk [tilespmem:v19+s18+$0x0], $0xffff  }
0x84: {  	v2 =	vadd.f32 v5, v2;
	v5 =	vld.idx.msk [tilespmem:v7+s18+$0x0], $0xffff  }
0x85: {  	v4 =	vadd.f32 v4, v16;
	v7 =	vld.idx.msk [tilespmem:v9+s19+$0x0], $0xffff;
	v9 =	vadd.f32 v10, v12  }
0x86: {  	v10 =	vld.idx.msk [tilespmem:v19+s19+$0x0], $0xffff  }
0x87: {  	v2 =	vadd.f32 v3, v2;
	v4 =	vadd.f32 v6, v4;
	[tilespmem:s13+$0x0] =	vst v9  }
0x88: {  	v3 =	vld [tilespmem:s14+$0x0]  }
0x89: {  	v4 =	vadd.f32 v8, v4;
	v2 =	vadd.f32 v14, v2;
	_ =	sdelay $0x1  }
0x8a: {  	v4 =	vadd.f32 v7, v4;
	v2 =	vadd.f32 v5, v2;
	_ =	sdelay $0x1  }
0x8b: {  	v4 =	vadd.f32 v13, v4;
	v2 =	vadd.f32 v3, v2;
	_ =	sdelay $0x1  }
.Ltmp1:
0x8c: {  	v3 =	vadd.f32 v11, v4;
	[tilespmem:s14+$0x0] =	vst v2;
	(pc) =	sbr.rel @p0 .LBB2_4-.Ltmp1, $3  }
0x8d: {  	v2 =	vld [tilespmem:s30+$0x0]  }
0x8e: {  	v3 =	vadd.f32 v10, v3;
	_ =	sdelay $0x1  }
0x8f: {  	s30 =	sadd.s32 $0x10, s30;
	v3 =	vadd.f32 v15, v3  }
0x90: {  	_ = 	snop  }
0x91: {  	v2 =	vadd.f32 v2, v3  }
0x92: {  	v3 =	vmov s16  }
0x93: {  	s3 =	simm.s32 $0x0;
	[tilespmem:s15+$0x0] =	vst v2  }
0x94: {  	v2 =	vld [tilespmem:s3+$0x13000];
	_ =	sdelay $0x2  }
0x95: {  	v4 =	vld.idx.msk [tilespmem:v3+s2+$0x0], $0xffff  }
0x96: {  	v5 =	vld.idx.msk [tilespmem:v3+s18+$0x0], $0xffff  }
0x97: {  	v6 =	vld.idx.msk [tilespmem:v3+s19+$0x0], $0xffff;
	_ =	sdelay $0x2  }
0x98: {  	s13 =	sadd.s32 $0x1, s16;
	[tilespmem:v2+s22+$0x0] =	vst.idx.add.f32.msk $0x1ff, v4  }
0x99: {  	v3 =	vmov s13;
	[tilespmem:v2+s23+$0x0] =	vst.idx.add.f32.msk $0x1ff, v5  }
0x9a: {  	s14 =	simm.s32 $0x80;
	s15 =	simm.s32 $0x400;
	[tilespmem:v2+s24+$0x0] =	vst.idx.add.f32.msk $0x1ff, v6  }
.LBB2_6:
0x9b: {  	s3 =	sshra.s32 s15, $0x2;
	p0 =	sne.s32 s15, $0x27E00;
	s15 =	sadd.s32 $0x200, s15;
	[tilespmem:v2+s25+$0x0] =	vst.idx.add.f32.msk $0x1ff, v1  }
0x9c: {  	v2 =	vld [tilespmem:s14+$0x13000];
	s14 =	smov.u32 s3;
	_ =	sdelay $0x1  }
0x9d: {  	v4 =	vld.idx.msk [tilespmem:v3+s2+$0x0], $0xffff  }
0x9e: {  	v5 =	vld.idx.msk [tilespmem:v3+s18+$0x0], $0xffff  }
0x9f: {  	v6 =	vld.idx.msk [tilespmem:v3+s19+$0x0], $0xffff;
	_ =	sdelay $0x1  }
.Ltmp2:
0xa0: {  	(pc) =	sbr.rel @p0 .LBB2_6-.Ltmp2, $4  }
0xa1: {  	_ = 	snop  }
0xa2: {  	s13 =	sadd.s32 $0x1, s13;
	[tilespmem:v2+s22+$0x0] =	vst.idx.add.f32.msk $0x1ff, v4  }
0xa3: {  	v3 =	vmov s13;
	[tilespmem:v2+s23+$0x0] =	vst.idx.add.f32.msk $0x1ff, v5  }
0xa4: {  	[tilespmem:v2+s24+$0x0] =	vst.idx.add.f32.msk $0x1ff, v6  }
0xa5: {  	_ =	sdelay $0x3  }
0xa6: {  	[tilespmem:v2+s25+$0x0] =	vst.idx.add.f32.msk $0x1ff, v1  }
0xa7: {  	v2 =	vld [tilespmem:s14+$0x13000];
	_ =	sdelay $0x2  }
0xa8: {  	v4 =	vld.idx.msk [tilespmem:v3+s2+$0x0], $0xffff  }
0xa9: {  	v5 =	vld.idx.msk [tilespmem:v3+s18+$0x0], $0xffff  }
0xaa: {  	v3 =	vld.idx.msk [tilespmem:v3+s19+$0x0], $0xffff;
	_ =	sdelay $0x2  }
0xab: {  	[tilespmem:v2+s22+$0x0] =	vst.idx.add.f32.msk $0x1ff, v4  }
0xac: {  	[tilespmem:v2+s23+$0x0] =	vst.idx.add.f32.msk $0x1ff, v5  }
0xad: {  	[tilespmem:v2+s24+$0x0] =	vst.idx.add.f32.msk $0x1ff, v3  }
0xae: {  	[tilespmem:v2+s25+$0x0] =	vst.idx.add.f32.msk $0x1ff, v1  }
0xaf: {  	[hbm4b:s8+s2] =	stream.linear.scatter [tilespmem:s22], [sflag:$0x1], $0x2800, $0x38;
	[tilespmem:$0x1D000] =	vst v63  }
0xb0: {  	_ =	swait.ge [sflag:s17], $0x2800  }
0xb1: {  	[sflag:s17] =	ssyncset.done $0x0  }
0xb2: {  	[sflag:s17] =	ssyncadd.s32 $0xFFFFD800  }
0xb3: {  	[hbm4b:s9+s2] =	stream.linear.scatter [tilespmem:s23], [sflag:$0x1], $0x2800, $0x38;
	[tilespmem:$0x1D000] =	vst v63  }
0xb4: {  	_ =	swait.ge [sflag:s17], $0x2800  }
0xb5: {  	[sflag:s17] =	ssyncset.done $0x0  }
0xb6: {  	[sflag:s17] =	ssyncadd.s32 $0xFFFFD800  }
0xb7: {  	[hbm4b:s10+s2] =	stream.linear.scatter [tilespmem:s24], [sflag:$0x1], $0x2800, $0x38;
	[tilespmem:$0x1D000] =	vst v63  }
0xb8: {  	s26 =	sadd.s32 $0x1, s26;
	_ =	swait.ge [sflag:s17], $0x2800  }
0xb9: {  	p0 =	sne.s32 s26, s12;
	[sflag:s17] =	ssyncset.done $0x0  }
.Ltmp3:
0xba: {  	[sflag:s17] =	ssyncadd.s32 $0xFFFFD800;
	(pc) =	sbr.rel @p0 .LBB2_1-.Ltmp3, $4  }
0xbb: {  	[hbm4b:s11+s2] =	stream.linear.scatter [tilespmem:s25], [sflag:$0x1], $0x2800, $0x38;
	[tilespmem:$0x1D000] =	vst v63  }
0xbc: {  	_ =	swait.ge [sflag:s17], $0x2800  }
0xbd: {  	[sflag:s17] =	ssyncset.done $0x0  }
0xbe: {  	[sflag:s17] =	ssyncadd.s32 $0xFFFFD800  }
0xbf: {  	_ =	sfence.sel $0x180000  }
0xc0: {  	[bflag:$0x0] =	sbarrier.arrive $0xFFFF  }
0xc1: {  	_ =	strace $0x90000047  }
0xc2: {  	s0 =	stileid.u32;
	[bflag:$0x2] =	sbarrier.arrive $0xFFFF  }
0xc3: {  	p0 =	sne.s32 s0, $0x0;
	s0 =	rddreg [dreg:$0x1]  }
0xc4: {  	s0 =	sadd.s32 @!p0 $0x100000, s0  }
0xc5: {  	[sflag:s0] =	ssyncadd.tile.s32 @!p0 $0x1;
	_ =	shalt  }
.Lfunc_end2:
_tile_overlayer_lowered:
.L_overlay_start_2:
0xc6: {  	(tag) =	ssettag $0x2  }
0xc7: {  	s0 =	rddreg [dreg:$0x0];
	s2 =	stileid.u32  }
0xc8: {  	s1 =	rddreg [dreg:$0x1];
	p0 =	sne.s32 s2, $0x0  }
0xc9: {  	s3 =	rddreg [dreg:$0x2];
	[bflag:$0x3] =	sbarrier.arrive $0xFFFF;
	s2 =	simm.s32 @!p0 $0x1C01  }
0xca: {  	[timem:s3], [sflag:s2] =	dma.local @!p0 [hbm:s0], s1  }
0xcb: {  	s0 =	simm.s32 @!p0 $0x1  }
0xcc: {  	_ =	swait.ge @!p0 [sflag:s0], s1  }
0xcd: {  	s1 =	ssub.s32 @!p0 $0x0, s1;
	[sflag:s0] =	ssyncset.done @!p0 $0x0  }
0xce: {  	[sflag:s0] =	ssyncadd.s32 @!p0 s1  }
0xcf: {  	[bflag:$0x3] =	sbarrier.arrive $0xFFFF  }
0xd0: {  	_ =	shalt  }

</sc_bundles>
